<compile_context>
chip_gen: v7x
topology: tpu7x:2x2x1
jax: 0.10.2.dev20260603
libtpu: 0.0.44.dev20260713+nightly
codegen_flags: <defaults>
</compile_context>

<pallas_src>
import functools

import jax
import jax.numpy as jnp
from jax import lax
from jax.experimental import pallas as pl
from jax.experimental.pallas import tpu as pltpu
from jax.experimental.pallas import tpu_sc as plsc

N = 10000
E = 320000
D = 128

NW = 32
NP = 320
N_PAD = NW * NP
CHUNK = 16000
NG = CHUNK // 16
NCHUNK = E // CHUNK
ACC_ROWS = NP + 8
DUMMY = NP

MM_BLOCK = 512
SEL_BLOCK = 1024


def _matmul_body(h_ref, w_ref, b_ref, o_ref):
    acc = lax.dot_general(h_ref[...], w_ref[...], (((1,), (1,)), ((), ())),
                          preferred_element_type=jnp.float32)
    o_ref[...] = jnp.maximum(acc + b_ref[...], 0.0)


def _select_body(a_ref, h_ref, o_ref):
    a = a_ref[...].astype(jnp.float32)
    o_ref[...] = jnp.where(a < 0.0, h_ref[...], a)


def _sc_body(hh_hbm, src_hbm, dst_hbm, out_hbm,
             src_v, dst_v, csrc_v, cdst_v, msg_v, acc_v, sem):
    cid = lax.axis_index("c")
    sid = lax.axis_index("s")
    wid = sid * 2 + cid
    lo = wid * NP
    hi = lo + NP

    neg1 = jnp.full((32,), -1.0, jnp.bfloat16)

    def init_row(r, carry):
        for j in range(D // 32):
            acc_v[r, pl.ds(j * 32, 32)] = neg1
        return carry
    lax.fori_loop(0, ACC_ROWS, init_row, 0)

    def chunk_body(c, carry):
        base = c * CHUNK
        pltpu.sync_copy(src_hbm.at[pl.ds(base, CHUNK)], src_v)
        pltpu.sync_copy(dst_hbm.at[pl.ds(base, CHUNK)], dst_v)

        def grp(g, n):
            s = src_v[pl.ds(g * 16, 16)]
            d = dst_v[pl.ds(g * 16, 16)]
            m = (d >= lo) & (d < hi)
            plsc.store_compressed(csrc_v.at[pl.ds(n, 16)], s, mask=m)
            plsc.store_compressed(cdst_v.at[pl.ds(n, 16)], d - lo, mask=m)
            return n + plsc.all_reduce_population_count(m)[0]

        n = lax.fori_loop(0, NG, grp, jnp.int32(0))

        csrc_v[pl.ds(n, 16)] = jnp.zeros((16,), jnp.int32)
        cdst_v[pl.ds(n, 16)] = jnp.full((16,), DUMMY, jnp.int32)
        nb = (n + 15) // 16

        def batch(b, bcarry):
            idx = csrc_v[pl.ds(b * 16, 16)]
            cp = pltpu.async_copy(hh_hbm.at[idx], msg_v, sem)
            dl = cdst_v[pl.ds(b * 16, 16)]
            cp.wait()
            for e in range(16):
                r = dl[e]
                for j in range(D // 32):
                    mv = plsc.bitcast(msg_v[e, pl.ds(j * 16, 16)],
                                      jnp.bfloat16)
                    sl = pl.ds(j * 32, 32)
                    acc_v[r, sl] = jnp.maximum(acc_v[r, sl], mv)
            return bcarry

        lax.fori_loop(0, nb, batch, 0)
        return carry

    lax.fori_loop(0, NCHUNK, chunk_body, 0)

    pltpu.sync_copy(acc_v.at[pl.ds(0, NP)], out_hbm.at[pl.ds(lo, NP)])


def _segment_max(hh, src, dst):
    mesh = plsc.VectorSubcoreMesh(core_axis_name="c", subcore_axis_name="s")
    run = functools.partial(
        pl.kernel, mesh=mesh,
        compiler_params=pltpu.CompilerParams(needs_layout_passes=False, use_tc_tiling_on_sc=False),
        out_type=jax.ShapeDtypeStruct((N_PAD, D), jnp.bfloat16),
        scratch_types=[
            pltpu.VMEM((CHUNK,), jnp.int32),
            pltpu.VMEM((CHUNK,), jnp.int32),
            pltpu.VMEM((CHUNK + 16,), jnp.int32),
            pltpu.VMEM((CHUNK + 16,), jnp.int32),
            pltpu.VMEM((16, D // 2), jnp.int32),
            pltpu.VMEM((ACC_ROWS, D), jnp.bfloat16),
            pltpu.SemaphoreType.DMA,
        ],
    )(_sc_body)
    return run(hh, src, dst)


def kernel(h, edge_index, h_in, W, b):
    h_pad = jnp.pad(h, ((0, N_PAD - N), (0, 0)))
    hh = pl.pallas_call(
        _matmul_body,
        grid=(N_PAD // MM_BLOCK,),
        in_specs=[
            pl.BlockSpec((MM_BLOCK, D), lambda i: (i, 0)),
            pl.BlockSpec((D, D), lambda i: (0, 0)),
            pl.BlockSpec((1, D), lambda i: (0, 0)),
        ],
        out_specs=pl.BlockSpec((MM_BLOCK, D), lambda i: (i, 0)),
        out_shape=jax.ShapeDtypeStruct((N_PAD, D), jnp.float32),
    )(h_pad, W, b.reshape(1, D))

    hh16p = lax.bitcast_convert_type(
        hh.astype(jnp.bfloat16).reshape(N_PAD, D // 2, 2), jnp.int32)

    agg = _segment_max(hh16p, edge_index[0], edge_index[1])

    out = pl.pallas_call(
        _select_body,
        grid=(N_PAD // SEL_BLOCK,),
        in_specs=[
            pl.BlockSpec((SEL_BLOCK, D), lambda i: (i, 0)),
            pl.BlockSpec((SEL_BLOCK, D), lambda i: (i, 0)),
        ],
        out_specs=pl.BlockSpec((SEL_BLOCK, D), lambda i: (i, 0)),
        out_shape=jax.ShapeDtypeStruct((N_PAD, D), jnp.float32),
    )(agg, hh)
    return out[:N]

# --- scband reference (transcript-rebuilt; emitter-appended) ---
"""Pipeline reference for scband-a-max-op-52793738003170 (READ-ONLY COPY).

The authoritative reference and input builder live on the scoring server;
editing this copy changes nothing except your own understanding.
"""

import jax, jax.numpy as jnp
import numpy as np

N = 10000
E = 320000
D = 128

def setup_inputs(seed: int = 0) -> dict:
    key = jax.random.key(seed)
    k1, k2, k3, k4, k5 = jax.random.split(key, 5)
    h = jax.random.normal(k1, (N, D), dtype=jnp.float32)
    h_in = jax.random.normal(k2, (N, D), dtype=jnp.float32)
    edge_index = jax.random.randint(k3, (2, E), 0, N, dtype=jnp.int32)
    # nn.Linear(D, D) parameters
    W = jax.random.normal(k4, (D, D), dtype=jnp.float32) * (1.0 / np.sqrt(D))
    b = jax.random.normal(k5, (D,), dtype=jnp.float32) * (1.0 / np.sqrt(D))
    return {"h": h, "edge_index": edge_index, "h_in": h_in, "W": W, "b": b}

def reference(h, edge_index, h_in, W, b):
    # h = F.relu(self.linear(h))
    hh = jax.nn.relu(h @ W.T + b)
    src = edge_index[0]
    dst = edge_index[1]
    # msg = copy_src('h'): gather source features along edges
    msgs = jnp.take(hh, src, axis=0)
    # reduce_max: per-destination max over mailbox
    agg = jax.ops.segment_max(msgs, dst, num_segments=N)
    # DGL update_all leaves nodes with no in-edges untouched (keep relu'd h)
    indeg = jnp.bincount(dst, length=N)
    out = jnp.where((indeg > 0)[:, None], agg, hh)
    return out

if __name__ == "__main__":
    import jax
    _d = setup_inputs()
    print(jax.jit(kernel)(*tuple(_d.values())))

</pallas_src>

<mosaic_0001>
#map = affine_map<(d0, d1) -> (0, 0)>
#map1 = affine_map<(d0, d1) -> (0)>
module attributes {stable_mosaic.version = 14 : i64} {
  func.func @_sc_body(%arg0: i32, %arg1: i32, %arg2: memref<10240x64xi32, #tpu.memory_space<hbm>>, %arg3: memref<320000xi32, #tpu.memory_space<hbm>>, %arg4: memref<320000xi32, #tpu.memory_space<hbm>>, %arg5: memref<10240x128xbf16, #tpu.memory_space<hbm>>, %arg6: memref<16000xi32, #tpu.memory_space<vmem>>, %arg7: memref<16000xi32, #tpu.memory_space<vmem>>, %arg8: memref<16016xi32, #tpu.memory_space<vmem>>, %arg9: memref<16016xi32, #tpu.memory_space<vmem>>, %arg10: memref<16x64xi32, #tpu.memory_space<vmem>>, %arg11: memref<328x128xbf16, #tpu.memory_space<vmem>>, %arg12: memref<!tpu.dma_semaphore, #tpu.memory_space<semaphore_mem>>) attributes {dimension_semantics = [#tpu.dimension_semantics<core_parallel>, #tpu.dimension_semantics<subcore_parallel>], iteration_bounds = array<i64: 2, 16>, scalar_prefetch = 0 : i64, scratch_operands = 7 : i64, tpu.core_type = #tpu.core_type<sc_vector_subcore>, window_params = [{transform_indices = #map}, {transform_indices = #map1}, {transform_indices = #map1}, {transform_indices = #map}]} {
    %mul3A = arith.constant 2 : i32
    %mul3A_0 = arith.muli %arg1, %mul3A : i32
    %add3A = arith.addi %mul3A_0, %arg0 : i32
    %mul3A_1 = arith.constant 320 : i32
    %mul3A_2 = arith.muli %add3A, %mul3A_1 : i32
    %add3A_3 = arith.constant 320 : i32
    %add3A_4 = arith.addi %mul3A_2, %add3A_3 : i32
    %broadcast_in_dim3A = arith.constant -1.000000e+00 : bf16
    %broadcast_in_dim3A_5 = vector.broadcast %broadcast_in_dim3A : bf16 to vector<32xbf16>
    %scan3A = arith.constant 0 : i32
    %scan3A_6 = arith.constant 0 : i32
    %scan3A_7 = arith.constant 328 : i32
    %scan3A_8 = arith.addi %scan3A_6, %scan3A_7 : i32
    %scan3A_9 = arith.constant 1 : i32
    scf.for %scan3A_17 = %scan3A_6 to %scan3A_8 step %scan3A_9  : i32 {
      %swap3A = arith.index_cast %scan3A_17 : i32 to index
      %swap3A_18 = arith.constant 0 : index
      %swap3A_19 = tpu.vector_load %arg11[%swap3A, %swap3A_18] {strides = array<i32>} : memref<328x128xbf16, #tpu.memory_space<vmem>>, vector<32xbf16>,
      tpu.vector_store %arg11[%swap3A, %swap3A_18], %broadcast_in_dim3A_5 {strides = array<i32>} : memref<328x128xbf16, #tpu.memory_space<vmem>>, vector<32xbf16>,
      %swap3A_20 = arith.index_cast %scan3A_17 : i32 to index
      %swap3A_21 = arith.constant 32 : index
      %swap3A_22 = tpu.vector_load %arg11[%swap3A_20, %swap3A_21] {strides = array<i32>} : memref<328x128xbf16, #tpu.memory_space<vmem>>, vector<32xbf16>,
      tpu.vector_store %arg11[%swap3A_20, %swap3A_21], %broadcast_in_dim3A_5 {strides = array<i32>} : memref<328x128xbf16, #tpu.memory_space<vmem>>, vector<32xbf16>,
      %swap3A_23 = arith.index_cast %scan3A_17 : i32 to index
      %swap3A_24 = arith.constant 64 : index
      %swap3A_25 = tpu.vector_load %arg11[%swap3A_23, %swap3A_24] {strides = array<i32>} : memref<328x128xbf16, #tpu.memory_space<vmem>>, vector<32xbf16>,
      tpu.vector_store %arg11[%swap3A_23, %swap3A_24], %broadcast_in_dim3A_5 {strides = array<i32>} : memref<328x128xbf16, #tpu.memory_space<vmem>>, vector<32xbf16>,
      %swap3A_26 = arith.index_cast %scan3A_17 : i32 to index
      %swap3A_27 = arith.constant 96 : index
      %swap3A_28 = tpu.vector_load %arg11[%swap3A_26, %swap3A_27] {strides = array<i32>} : memref<328x128xbf16, #tpu.memory_space<vmem>>, vector<32xbf16>,
      tpu.vector_store %arg11[%swap3A_26, %swap3A_27], %broadcast_in_dim3A_5 {strides = array<i32>} : memref<328x128xbf16, #tpu.memory_space<vmem>>, vector<32xbf16>,
    }
    %scan3A_10 = arith.constant 328 : i32
    %scan3A_11 = arith.constant 0 : i32
    %scan3A_12 = arith.constant 0 : i32
    %scan3A_13 = arith.constant 20 : i32
    %scan3A_14 = arith.addi %scan3A_12, %scan3A_13 : i32
    %scan3A_15 = arith.constant 1 : i32
    scf.for %scan3A_17 = %scan3A_12 to %scan3A_14 step %scan3A_15  : i32 {
      %mul3A_18 = arith.constant 16000 : i32
      %mul3A_19 = arith.muli %scan3A_17, %mul3A_18 : i32
      "tpu.region"() ({
        %run_scoped3A = tpu.sem_alloc : memref<!tpu.dma_semaphore, #tpu.memory_space<semaphore_mem>>
        %dma_start3A = tpu.memref_slice %arg3[%mul3A_19] : memref<320000xi32, #tpu.memory_space<hbm>> -> memref<16000xi32, #tpu.memory_space<hbm>>
        %dma_start3A_61 = tpu.memref_slice %arg3[%mul3A_19] : memref<320000xi32, #tpu.memory_space<hbm>> -> memref<16000xi32, #tpu.memory_space<hbm>>
        tpu.enqueue_dma source(%dma_start3A_61 : memref<16000xi32, #tpu.memory_space<hbm>>) target(%arg6 : memref<16000xi32, #tpu.memory_space<vmem>>) target_semaphore(%run_scoped3A : memref<!tpu.dma_semaphore, #tpu.memory_space<semaphore_mem>>)
        %dma_wait3A = tpu.memref_slice %arg3[%mul3A_19] : memref<320000xi32, #tpu.memory_space<hbm>> -> memref<16000xi32, #tpu.memory_space<hbm>>
        %dma_wait3A_62 = tpu.memref_slice %arg3[%mul3A_19] : memref<320000xi32, #tpu.memory_space<hbm>> -> memref<16000xi32, #tpu.memory_space<hbm>>
        tpu.wait_dma2 semaphore(%run_scoped3A : memref<!tpu.dma_semaphore, #tpu.memory_space<semaphore_mem>>) src(%dma_wait3A_62 : memref<16000xi32, #tpu.memory_space<hbm>>) dst(%arg6 : memref<16000xi32, #tpu.memory_space<vmem>>)
        tpu.yield
      }) : () -> ()
      "tpu.region"() ({
        %run_scoped3A = tpu.sem_alloc : memref<!tpu.dma_semaphore, #tpu.memory_space<semaphore_mem>>
        %dma_start3A = tpu.memref_slice %arg4[%mul3A_19] : memref<320000xi32, #tpu.memory_space<hbm>> -> memref<16000xi32, #tpu.memory_space<hbm>>
        %dma_start3A_61 = tpu.memref_slice %arg4[%mul3A_19] : memref<320000xi32, #tpu.memory_space<hbm>> -> memref<16000xi32, #tpu.memory_space<hbm>>
        tpu.enqueue_dma source(%dma_start3A_61 : memref<16000xi32, #tpu.memory_space<hbm>>) target(%arg7 : memref<16000xi32, #tpu.memory_space<vmem>>) target_semaphore(%run_scoped3A : memref<!tpu.dma_semaphore, #tpu.memory_space<semaphore_mem>>)
        %dma_wait3A = tpu.memref_slice %arg4[%mul3A_19] : memref<320000xi32, #tpu.memory_space<hbm>> -> memref<16000xi32, #tpu.memory_space<hbm>>
        %dma_wait3A_62 = tpu.memref_slice %arg4[%mul3A_19] : memref<320000xi32, #tpu.memory_space<hbm>> -> memref<16000xi32, #tpu.memory_space<hbm>>
        tpu.wait_dma2 semaphore(%run_scoped3A : memref<!tpu.dma_semaphore, #tpu.memory_space<semaphore_mem>>) src(%dma_wait3A_62 : memref<16000xi32, #tpu.memory_space<hbm>>) dst(%arg7 : memref<16000xi32, #tpu.memory_space<vmem>>)
        tpu.yield
      }) : () -> ()
      %scan3A_20 = arith.constant 0 : i32
      %scan3A_21 = arith.constant 0 : i32
      %scan3A_22 = arith.constant 1000 : i32
      %scan3A_23 = arith.addi %scan3A_21, %scan3A_22 : i32
      %scan3A_24 = arith.constant 1 : i32
      %scan3A_25 = scf.for %scan3A_61 = %scan3A_21 to %scan3A_23 step %scan3A_24 iter_args(%scan3A_62 = %scan3A_20) -> (i32)  : i32 {
        %mul3A_63 = arith.constant 16 : i32
        %mul3A_64 = arith.muli %scan3A_61, %mul3A_63 : i32
        %get3A = arith.index_cast %mul3A_64 : i32 to index
        %get3A_65 = tpu.vector_load %arg6[%get3A] {strides = array<i32>} : memref<16000xi32, #tpu.memory_space<vmem>>, vector<16xi32>,
        %mul3A_66 = arith.constant 16 : i32
        %mul3A_67 = arith.muli %scan3A_61, %mul3A_66 : i32
        %get3A_68 = arith.index_cast %mul3A_67 : i32 to index
        %get3A_69 = tpu.vector_load %arg7[%get3A_68] {strides = array<i32>} : memref<16000xi32, #tpu.memory_space<vmem>>, vector<16xi32>,
        %ge3A = vector.broadcast %mul3A_2 : i32 to vector<16xi32>
        %ge3A_70 = arith.cmpi sge, %get3A_69, %ge3A : vector<16xi32>
        %lt3A = vector.broadcast %add3A_4 : i32 to vector<16xi32>
        %lt3A_71 = arith.cmpi slt, %get3A_69, %lt3A : vector<16xi32>
        %and3A_72 = arith.andi %ge3A_70, %lt3A_71 : vector<16xi1>
        %swap3A_73 = arith.index_cast %scan3A_62 : i32 to index
        %swap3A_74 = tpu.vector_load %arg8[%swap3A_73] masked %and3A_72 {strides = array<i32>} : memref<16016xi32, #tpu.memory_space<vmem>>, vector<16xi32>, vector<16xi1>
        tpu.vector_store %arg8[%swap3A_73], %get3A_65 masked %and3A_72 {strides = array<i32>} : memref<16016xi32, #tpu.memory_space<vmem>>, vector<16xi32>, vector<16xi1>
        %sub3A_75 = vector.broadcast %mul3A_2 : i32 to vector<16xi32>
        %sub3A_76 = arith.subi %get3A_69, %sub3A_75 : vector<16xi32>
        %swap3A_77 = arith.index_cast %scan3A_62 : i32 to index
        %swap3A_78 = tpu.vector_load %arg9[%swap3A_77] masked %and3A_72 {strides = array<i32>} : memref<16016xi32, #tpu.memory_space<vmem>>, vector<16xi32>, vector<16xi1>
        tpu.vector_store %arg9[%swap3A_77], %sub3A_76 masked %and3A_72 {strides = array<i32>} : memref<16016xi32, #tpu.memory_space<vmem>>, vector<16xi32>, vector<16xi1>
        %all_reduce_population_count3A = tpu.all_reduce %and3A_72 {dim = 0 : i64, kind = #tpu.reduction_kind<sum>} : vector<16xi1> -> vector<16xi32>
        %slice3A = vector.extract_strided_slice %all_reduce_population_count3A {offsets = [0], sizes = [1], strides = [1]} : vector<16xi32> to vector<1xi32>
        %squeeze3A = vector.extract %slice3A[0] : i32 from vector<1xi32>
        %add3A_79 = arith.addi %scan3A_62, %squeeze3A : i32
        scf.yield %add3A_79 : i32
      }
      %scan3A_26 = arith.constant 1000 : i32
      %broadcast_in_dim3A_27 = arith.constant 0 : i32
      %broadcast_in_dim3A_28 = vector.broadcast %broadcast_in_dim3A_27 : i32 to vector<16xi32>
      %swap3A = arith.index_cast %scan3A_25 : i32 to index
      %swap3A_29 = tpu.vector_load %arg8[%swap3A] {strides = array<i32>} : memref<16016xi32, #tpu.memory_space<vmem>>, vector<16xi32>,
      tpu.vector_store %arg8[%swap3A], %broadcast_in_dim3A_28 {strides = array<i32>} : memref<16016xi32, #tpu.memory_space<vmem>>, vector<16xi32>,
      %broadcast_in_dim3A_30 = arith.constant 320 : i32
      %broadcast_in_dim3A_31 = vector.broadcast %broadcast_in_dim3A_30 : i32 to vector<16xi32>
      %swap3A_32 = arith.index_cast %scan3A_25 : i32 to index
      %swap3A_33 = tpu.vector_load %arg9[%swap3A_32] {strides = array<i32>} : memref<16016xi32, #tpu.memory_space<vmem>>, vector<16xi32>,
      tpu.vector_store %arg9[%swap3A_32], %broadcast_in_dim3A_31 {strides = array<i32>} : memref<16016xi32, #tpu.memory_space<vmem>>, vector<16xi32>,
      %add3A_34 = arith.constant 15 : i32
      %add3A_35 = arith.addi %scan3A_25, %add3A_34 : i32
      %jit3A = arith.constant 16 : i32
      %div3A = arith.divsi %add3A_35, %jit3A : i32
      %sign3A = arith.constant 0 : i32
      %sign3A_36 = arith.cmpi sgt, %add3A_35, %sign3A : i32
      %sign3A_37 = arith.extui %sign3A_36 : i1 to i32
      %sign3A_38 = arith.constant 0 : i32
      %sign3A_39 = arith.cmpi slt, %add3A_35, %sign3A_38 : i32
      %sign3A_40 = arith.extui %sign3A_39 : i1 to i32
      %sign3A_41 = arith.subi %sign3A_37, %sign3A_40 : i32
      %sign3A_42 = arith.constant 0 : i32
      %sign3A_43 = arith.cmpi sgt, %jit3A, %sign3A_42 : i32
      %sign3A_44 = arith.extui %sign3A_43 : i1 to i32
      %sign3A_45 = arith.constant 0 : i32
      %sign3A_46 = arith.cmpi slt, %jit3A, %sign3A_45 : i32
      %sign3A_47 = arith.extui %sign3A_46 : i1 to i32
      %sign3A_48 = arith.subi %sign3A_44, %sign3A_47 : i32
      %ne3A = arith.cmpi ne, %sign3A_41, %sign3A_48 : i32
      %rem3A = arith.remsi %add3A_35, %jit3A : i32
      %ne3A_49 = arith.constant 0 : i32
      %ne3A_50 = arith.cmpi ne, %rem3A, %ne3A_49 : i32
      %and3A = arith.andi %ne3A, %ne3A_50 : i1
      %sub3A = arith.constant 1 : i32
      %sub3A_51 = arith.subi %div3A, %sub3A : i32
      %select_n3A = arith.select %and3A, %sub3A_51, %div3A : i32
      %while3A = arith.constant 0 : i32
      %while3A_52 = arith.constant 0 : i32
      %while3A_53 = arith.subi %select_n3A, %while3A_52 : i32
      %while3A_54 = arith.addi %while3A_52, %while3A_53 : i32
      %while3A_55 = arith.constant 1 : i32
      %while3A_56 = arith.divsi %while3A_53, %while3A_55 : i32
      %while3A_57 = arith.muli %while3A_56, %while3A_55 : i32
      %while3A_58 = arith.addi %while3A_52, %while3A_57 : i32
      %while3A_59 = arith.constant 1 : i32
      scf.for %while3A_61 = %while3A_52 to %while3A_58 step %while3A_59  : i32 {
        %mul3A_62 = arith.constant 16 : i32
        %mul3A_63 = arith.muli %while3A_61, %mul3A_62 : i32
        %get3A = arith.index_cast %mul3A_63 : i32 to index
        %get3A_64 = tpu.vector_load %arg8[%get3A] {strides = array<i32>} : memref<16016xi32, #tpu.memory_space<vmem>>, vector<16xi32>,
        %dma_start3A = arith.constant 0 : i32
        %dma_start3A_65 = arith.constant 0 : i32
        %dma_start3A_66 = tpu.memref_slice %arg2[%dma_start3A, %dma_start3A_65] : memref<10240x64xi32, #tpu.memory_space<hbm>> -> memref<10240x64xi32, #tpu.memory_space<hbm>>
        tpu.enqueue_indirect_dma source(%dma_start3A_66 : memref<10240x64xi32, #tpu.memory_space<hbm>>) target(%arg10 : memref<16x64xi32, #tpu.memory_space<vmem>>) offsets(%get3A_64 : vector<16xi32>) semaphore(%arg12 : memref<!tpu.dma_semaphore, #tpu.memory_space<semaphore_mem>>)
        %mul3A_67 = arith.constant 16 : i32
        %mul3A_68 = arith.muli %while3A_61, %mul3A_67 : i32
        %get3A_69 = arith.index_cast %mul3A_68 : i32 to index
        %get3A_70 = tpu.vector_load %arg9[%get3A_69] {strides = array<i32>} : memref<16016xi32, #tpu.memory_space<vmem>>, vector<16xi32>,
        %dma_wait3A = arith.constant 0 : i32
        %dma_wait3A_71 = arith.constant 0 : i32
        %dma_wait3A_72 = tpu.memref_slice %arg2[%dma_wait3A, %dma_wait3A_71] : memref<10240x64xi32, #tpu.memory_space<hbm>> -> memref<10240x64xi32, #tpu.memory_space<hbm>>
        tpu.wait_indirect_dma semaphore(%arg12 : memref<!tpu.dma_semaphore, #tpu.memory_space<semaphore_mem>>) src(%dma_wait3A_72 : memref<10240x64xi32, #tpu.memory_space<hbm>>) dst(%arg10 : memref<16x64xi32, #tpu.memory_space<vmem>>)
        %slice3A = vector.extract_strided_slice %get3A_70 {offsets = [0], sizes = [1], strides = [1]} : vector<16xi32> to vector<1xi32>
        %squeeze3A = vector.extract %slice3A[0] : i32 from vector<1xi32>
        %get3A_73 = arith.constant 0 : i32
        %get3A_74 = arith.index_cast %get3A_73 : i32 to index
        %get3A_75 = arith.constant 0 : index
        %get3A_76 = tpu.vector_load %arg10[%get3A_74, %get3A_75] {strides = array<i32>} : memref<16x64xi32, #tpu.memory_space<vmem>>, vector<16xi32>,
        %bitcast3A = vector.bitcast %get3A_76 : vector<16xi32> to vector<32xbf16>
        %get3A_77 = arith.index_cast %squeeze3A : i32 to index
        %get3A_78 = arith.constant 0 : index
        %get3A_79 = tpu.vector_load %arg11[%get3A_77, %get3A_78] {strides = array<i32>} : memref<328x128xbf16, #tpu.memory_space<vmem>>, vector<32xbf16>,
        %max3A = arith.maximumf %get3A_79, %bitcast3A : vector<32xbf16>
        %swap3A_80 = arith.index_cast %squeeze3A : i32 to index
        %swap3A_81 = arith.constant 0 : index
        %swap3A_82 = tpu.vector_load %arg11[%swap3A_80, %swap3A_81] {strides = array<i32>} : memref<328x128xbf16, #tpu.memory_space<vmem>>, vector<32xbf16>,
        tpu.vector_store %arg11[%swap3A_80, %swap3A_81], %max3A {strides = array<i32>} : memref<328x128xbf16, #tpu.memory_space<vmem>>, vector<32xbf16>,
        %get3A_83 = arith.constant 0 : i32
        %get3A_84 = arith.index_cast %get3A_83 : i32 to index
        %get3A_85 = arith.constant 16 : index
        %get3A_86 = tpu.vector_load %arg10[%get3A_84, %get3A_85] {strides = array<i32>} : memref<16x64xi32, #tpu.memory_space<vmem>>, vector<16xi32>,
        %bitcast3A_87 = vector.bitcast %get3A_86 : vector<16xi32> to vector<32xbf16>
        %get3A_88 = arith.index_cast %squeeze3A : i32 to index
        %get3A_89 = arith.constant 32 : index
        %get3A_90 = tpu.vector_load %arg11[%get3A_88, %get3A_89] {strides = array<i32>} : memref<328x128xbf16, #tpu.memory_space<vmem>>, vector<32xbf16>,
        %max3A_91 = arith.maximumf %get3A_90, %bitcast3A_87 : vector<32xbf16>
        %swap3A_92 = arith.index_cast %squeeze3A : i32 to index
        %swap3A_93 = arith.constant 32 : index
        %swap3A_94 = tpu.vector_load %arg11[%swap3A_92, %swap3A_93] {strides = array<i32>} : memref<328x128xbf16, #tpu.memory_space<vmem>>, vector<32xbf16>,
        tpu.vector_store %arg11[%swap3A_92, %swap3A_93], %max3A_91 {strides = array<i32>} : memref<328x128xbf16, #tpu.memory_space<vmem>>, vector<32xbf16>,
        %get3A_95 = arith.constant 0 : i32
        %get3A_96 = arith.index_cast %get3A_95 : i32 to index
        %get3A_97 = arith.constant 32 : index
        %get3A_98 = tpu.vector_load %arg10[%get3A_96, %get3A_97] {strides = array<i32>} : memref<16x64xi32, #tpu.memory_space<vmem>>, vector<16xi32>,
        %bitcast3A_99 = vector.bitcast %get3A_98 : vector<16xi32> to vector<32xbf16>
        %get3A_100 = arith.index_cast %squeeze3A : i32 to index
        %get3A_101 = arith.constant 64 : index
        %get3A_102 = tpu.vector_load %arg11[%get3A_100, %get3A_101] {strides = array<i32>} : memref<328x128xbf16, #tpu.memory_space<vmem>>, vector<32xbf16>,
        %max3A_103 = arith.maximumf %get3A_102, %bitcast3A_99 : vector<32xbf16>
        %swap3A_104 = arith.index_cast %squeeze3A : i32 to index
        %swap3A_105 = arith.constant 64 : index
        %swap3A_106 = tpu.vector_load %arg11[%swap3A_104, %swap3A_105] {strides = array<i32>} : memref<328x128xbf16, #tpu.memory_space<vmem>>, vector<32xbf16>,
        tpu.vector_store %arg11[%swap3A_104, %swap3A_105], %max3A_103 {strides = array<i32>} : memref<328x128xbf16, #tpu.memory_space<vmem>>, vector<32xbf16>,
        %get3A_107 = arith.constant 0 : i32
        %get3A_108 = arith.index_cast %get3A_107 : i32 to index
        %get3A_109 = arith.constant 48 : index
        %get3A_110 = tpu.vector_load %arg10[%get3A_108, %get3A_109] {strides = array<i32>} : memref<16x64xi32, #tpu.memory_space<vmem>>, vector<16xi32>,
        %bitcast3A_111 = vector.bitcast %get3A_110 : vector<16xi32> to vector<32xbf16>
        %get3A_112 = arith.index_cast %squeeze3A : i32 to index
        %get3A_113 = arith.constant 96 : index
        %get3A_114 = tpu.vector_load %arg11[%get3A_112, %get3A_113] {strides = array<i32>} : memref<328x128xbf16, #tpu.memory_space<vmem>>, vector<32xbf16>,
        %max3A_115 = arith.maximumf %get3A_114, %bitcast3A_111 : vector<32xbf16>
        %swap3A_116 = arith.index_cast %squeeze3A : i32 to index
        %swap3A_117 = arith.constant 96 : index
        %swap3A_118 = tpu.vector_load %arg11[%swap3A_116, %swap3A_117] {strides = array<i32>} : memref<328x128xbf16, #tpu.memory_space<vmem>>, vector<32xbf16>,
        tpu.vector_store %arg11[%swap3A_116, %swap3A_117], %max3A_115 {strides = array<i32>} : memref<328x128xbf16, #tpu.memory_space<vmem>>, vector<32xbf16>,
        %slice3A_119 = vector.extract_strided_slice %get3A_70 {offsets = [1], sizes = [1], strides = [1]} : vector<16xi32> to vector<1xi32>
        %squeeze3A_120 = vector.extract %slice3A_119[0] : i32 from vector<1xi32>
        %get3A_121 = arith.constant 1 : i32
        %get3A_122 = arith.index_cast %get3A_121 : i32 to index
        %get3A_123 = arith.constant 0 : index
        %get3A_124 = tpu.vector_load %arg10[%get3A_122, %get3A_123] {strides = array<i32>} : memref<16x64xi32, #tpu.memory_space<vmem>>, vector<16xi32>,
        %bitcast3A_125 = vector.bitcast %get3A_124 : vector<16xi32> to vector<32xbf16>
        %get3A_126 = arith.index_cast %squeeze3A_120 : i32 to index
        %get3A_127 = arith.constant 0 : index
        %get3A_128 = tpu.vector_load %arg11[%get3A_126, %get3A_127] {strides = array<i32>} : memref<328x128xbf16, #tpu.memory_space<vmem>>, vector<32xbf16>,
        %max3A_129 = arith.maximumf %get3A_128, %bitcast3A_125 : vector<32xbf16>
        %swap3A_130 = arith.index_cast %squeeze3A_120 : i32 to index
        %swap3A_131 = arith.constant 0 : index
        %swap3A_132 = tpu.vector_load %arg11[%swap3A_130, %swap3A_131] {strides = array<i32>} : memref<328x128xbf16, #tpu.memory_space<vmem>>, vector<32xbf16>,
        tpu.vector_store %arg11[%swap3A_130, %swap3A_131], %max3A_129 {strides = array<i32>} : memref<328x128xbf16, #tpu.memory_space<vmem>>, vector<32xbf16>,
        %get3A_133 = arith.constant 1 : i32
        %get3A_134 = arith.index_cast %get3A_133 : i32 to index
        %get3A_135 = arith.constant 16 : index
        %get3A_136 = tpu.vector_load %arg10[%get3A_134, %get3A_135] {strides = array<i32>} : memref<16x64xi32, #tpu.memory_space<vmem>>, vector<16xi32>,
        %bitcast3A_137 = vector.bitcast %get3A_136 : vector<16xi32> to vector<32xbf16>
        %get3A_138 = arith.index_cast %squeeze3A_120 : i32 to index
        %get3A_139 = arith.constant 32 : index
        %get3A_140 = tpu.vector_load %arg11[%get3A_138, %get3A_139] {strides = array<i32>} : memref<328x128xbf16, #tpu.memory_space<vmem>>, vector<32xbf16>,
        %max3A_141 = arith.maximumf %get3A_140, %bitcast3A_137 : vector<32xbf16>
        %swap3A_142 = arith.index_cast %squeeze3A_120 : i32 to index
        %swap3A_143 = arith.constant 32 : index
        %swap3A_144 = tpu.vector_load %arg11[%swap3A_142, %swap3A_143] {strides = array<i32>} : memref<328x128xbf16, #tpu.memory_space<vmem>>, vector<32xbf16>,
        tpu.vector_store %arg11[%swap3A_142, %swap3A_143], %max3A_141 {strides = array<i32>} : memref<328x128xbf16, #tpu.memory_space<vmem>>, vector<32xbf16>,
        %get3A_145 = arith.constant 1 : i32
        %get3A_146 = arith.index_cast %get3A_145 : i32 to index
        %get3A_147 = arith.constant 32 : index
        %get3A_148 = tpu.vector_load %arg10[%get3A_146, %get3A_147] {strides = array<i32>} : memref<16x64xi32, #tpu.memory_space<vmem>>, vector<16xi32>,
        %bitcast3A_149 = vector.bitcast %get3A_148 : vector<16xi32> to vector<32xbf16>
        %get3A_150 = arith.index_cast %squeeze3A_120 : i32 to index
        %get3A_151 = arith.constant 64 : index
        %get3A_152 = tpu.vector_load %arg11[%get3A_150, %get3A_151] {strides = array<i32>} : memref<328x128xbf16, #tpu.memory_space<vmem>>, vector<32xbf16>,
        %max3A_153 = arith.maximumf %get3A_152, %bitcast3A_149 : vector<32xbf16>
        %swap3A_154 = arith.index_cast %squeeze3A_120 : i32 to index
        %swap3A_155 = arith.constant 64 : index
        %swap3A_156 = tpu.vector_load %arg11[%swap3A_154, %swap3A_155] {strides = array<i32>} : memref<328x128xbf16, #tpu.memory_space<vmem>>, vector<32xbf16>,
        tpu.vector_store %arg11[%swap3A_154, %swap3A_155], %max3A_153 {strides = array<i32>} : memref<328x128xbf16, #tpu.memory_space<vmem>>, vector<32xbf16>,
        %get3A_157 = arith.constant 1 : i32
        %get3A_158 = arith.index_cast %get3A_157 : i32 to index
        %get3A_159 = arith.constant 48 : index
        %get3A_160 = tpu.vector_load %arg10[%get3A_158, %get3A_159] {strides = array<i32>} : memref<16x64xi32, #tpu.memory_space<vmem>>, vector<16xi32>,
        %bitcast3A_161 = vector.bitcast %get3A_160 : vector<16xi32> to vector<32xbf16>
        %get3A_162 = arith.index_cast %squeeze3A_120 : i32 to index
        %get3A_163 = arith.constant 96 : index
        %get3A_164 = tpu.vector_load %arg11[%get3A_162, %get3A_163] {strides = array<i32>} : memref<328x128xbf16, #tpu.memory_space<vmem>>, vector<32xbf16>,
        %max3A_165 = arith.maximumf %get3A_164, %bitcast3A_161 : vector<32xbf16>
        %swap3A_166 = arith.index_cast %squeeze3A_120 : i32 to index
        %swap3A_167 = arith.constant 96 : index
        %swap3A_168 = tpu.vector_load %arg11[%swap3A_166, %swap3A_167] {strides = array<i32>} : memref<328x128xbf16, #tpu.memory_space<vmem>>, vector<32xbf16>,
        tpu.vector_store %arg11[%swap3A_166, %swap3A_167], %max3A_165 {strides = array<i32>} : memref<328x128xbf16, #tpu.memory_space<vmem>>, vector<32xbf16>,
        %slice3A_169 = vector.extract_strided_slice %get3A_70 {offsets = [2], sizes = [1], strides = [1]} : vector<16xi32> to vector<1xi32>
        %squeeze3A_170 = vector.extract %slice3A_169[0] : i32 from vector<1xi32>
        %get3A_171 = arith.constant 2 : i32
        %get3A_172 = arith.index_cast %get3A_171 : i32 to index
        %get3A_173 = arith.constant 0 : index
        %get3A_174 = tpu.vector_load %arg10[%get3A_172, %get3A_173] {strides = array<i32>} : memref<16x64xi32, #tpu.memory_space<vmem>>, vector<16xi32>,
        %bitcast3A_175 = vector.bitcast %get3A_174 : vector<16xi32> to vector<32xbf16>
        %get3A_176 = arith.index_cast %squeeze3A_170 : i32 to index
        %get3A_177 = arith.constant 0 : index
        %get3A_178 = tpu.vector_load %arg11[%get3A_176, %get3A_177] {strides = array<i32>} : memref<328x128xbf16, #tpu.memory_space<vmem>>, vector<32xbf16>,
        %max3A_179 = arith.maximumf %get3A_178, %bitcast3A_175 : vector<32xbf16>
        %swap3A_180 = arith.index_cast %squeeze3A_170 : i32 to index
        %swap3A_181 = arith.constant 0 : index
        %swap3A_182 = tpu.vector_load %arg11[%swap3A_180, %swap3A_181] {strides = array<i32>} : memref<328x128xbf16, #tpu.memory_space<vmem>>, vector<32xbf16>,
        tpu.vector_store %arg11[%swap3A_180, %swap3A_181], %max3A_179 {strides = array<i32>} : memref<328x128xbf16, #tpu.memory_space<vmem>>, vector<32xbf16>,
        %get3A_183 = arith.constant 2 : i32
        %get3A_184 = arith.index_cast %get3A_183 : i32 to index
        %get3A_185 = arith.constant 16 : index
        %get3A_186 = tpu.vector_load %arg10[%get3A_184, %get3A_185] {strides = array<i32>} : memref<16x64xi32, #tpu.memory_space<vmem>>, vector<16xi32>,
        %bitcast3A_187 = vector.bitcast %get3A_186 : vector<16xi32> to vector<32xbf16>
        %get3A_188 = arith.index_cast %squeeze3A_170 : i32 to index
        %get3A_189 = arith.constant 32 : index
        %get3A_190 = tpu.vector_load %arg11[%get3A_188, %get3A_189] {strides = array<i32>} : memref<328x128xbf16, #tpu.memory_space<vmem>>, vector<32xbf16>,
        %max3A_191 = arith.maximumf %get3A_190, %bitcast3A_187 : vector<32xbf16>
        %swap3A_192 = arith.index_cast %squeeze3A_170 : i32 to index
        %swap3A_193 = arith.constant 32 : index
        %swap3A_194 = tpu.vector_load %arg11[%swap3A_192, %swap3A_193] {strides = array<i32>} : memref<328x128xbf16, #tpu.memory_space<vmem>>, vector<32xbf16>,
        tpu.vector_store %arg11[%swap3A_192, %swap3A_193], %max3A_191 {strides = array<i32>} : memref<328x128xbf16, #tpu.memory_space<vmem>>, vector<32xbf16>,
        %get3A_195 = arith.constant 2 : i32
        %get3A_196 = arith.index_cast %get3A_195 : i32 to index
        %get3A_197 = arith.constant 32 : index
        %get3A_198 = tpu.vector_load %arg10[%get3A_196, %get3A_197] {strides = array<i32>} : memref<16x64xi32, #tpu.memory_space<vmem>>, vector<16xi32>,
        %bitcast3A_199 = vector.bitcast %get3A_198 : vector<16xi32> to vector<32xbf16>
        %get3A_200 = arith.index_cast %squeeze3A_170 : i32 to index
        %get3A_201 = arith.constant 64 : index
        %get3A_202 = tpu.vector_load %arg11[%get3A_200, %get3A_201] {strides = array<i32>} : memref<328x128xbf16, #tpu.memory_space<vmem>>, vector<32xbf16>,
        %max3A_203 = arith.maximumf %get3A_202, %bitcast3A_199 : vector<32xbf16>
        %swap3A_204 = arith.index_cast %squeeze3A_170 : i32 to index
        %swap3A_205 = arith.constant 64 : index
        %swap3A_206 = tpu.vector_load %arg11[%swap3A_204, %swap3A_205] {strides = array<i32>} : memref<328x128xbf16, #tpu.memory_space<vmem>>, vector<32xbf16>,
        tpu.vector_store %arg11[%swap3A_204, %swap3A_205], %max3A_203 {strides = array<i32>} : memref<328x128xbf16, #tpu.memory_space<vmem>>, vector<32xbf16>,
        %get3A_207 = arith.constant 2 : i32
        %get3A_208 = arith.index_cast %get3A_207 : i32 to index
        %get3A_209 = arith.constant 48 : index
        %get3A_210 = tpu.vector_load %arg10[%get3A_208, %get3A_209] {strides = array<i32>} : memref<16x64xi32, #tpu.memory_space<vmem>>, vector<16xi32>,
        %bitcast3A_211 = vector.bitcast %get3A_210 : vector<16xi32> to vector<32xbf16>
        %get3A_212 = arith.index_cast %squeeze3A_170 : i32 to index
        %get3A_213 = arith.constant 96 : index
        %get3A_214 = tpu.vector_load %arg11[%get3A_212, %get3A_213] {strides = array<i32>} : memref<328x128xbf16, #tpu.memory_space<vmem>>, vector<32xbf16>,
        %max3A_215 = arith.maximumf %get3A_214, %bitcast3A_211 : vector<32xbf16>
        %swap3A_216 = arith.index_cast %squeeze3A_170 : i32 to index
        %swap3A_217 = arith.constant 96 : index
        %swap3A_218 = tpu.vector_load %arg11[%swap3A_216, %swap3A_217] {strides = array<i32>} : memref<328x128xbf16, #tpu.memory_space<vmem>>, vector<32xbf16>,
        tpu.vector_store %arg11[%swap3A_216, %swap3A_217], %max3A_215 {strides = array<i32>} : memref<328x128xbf16, #tpu.memory_space<vmem>>, vector<32xbf16>,
        %slice3A_219 = vector.extract_strided_slice %get3A_70 {offsets = [3], sizes = [1], strides = [1]} : vector<16xi32> to vector<1xi32>
        %squeeze3A_220 = vector.extract %slice3A_219[0] : i32 from vector<1xi32>
        %get3A_221 = arith.constant 3 : i32
        %get3A_222 = arith.index_cast %get3A_221 : i32 to index
        %get3A_223 = arith.constant 0 : index
        %get3A_224 = tpu.vector_load %arg10[%get3A_222, %get3A_223] {strides = array<i32>} : memref<16x64xi32, #tpu.memory_space<vmem>>, vector<16xi32>,
        %bitcast3A_225 = vector.bitcast %get3A_224 : vector<16xi32> to vector<32xbf16>
        %get3A_226 = arith.index_cast %squeeze3A_220 : i32 to index
        %get3A_227 = arith.constant 0 : index
        %get3A_228 = tpu.vector_load %arg11[%get3A_226, %get3A_227] {strides = array<i32>} : memref<328x128xbf16, #tpu.memory_space<vmem>>, vector<32xbf16>,
        %max3A_229 = arith.maximumf %get3A_228, %bitcast3A_225 : vector<32xbf16>
        %swap3A_230 = arith.index_cast %squeeze3A_220 : i32 to index
        %swap3A_231 = arith.constant 0 : index
        %swap3A_232 = tpu.vector_load %arg11[%swap3A_230, %swap3A_231] {strides = array<i32>} : memref<328x128xbf16, #tpu.memory_space<vmem>>, vector<32xbf16>,
        tpu.vector_store %arg11[%swap3A_230, %swap3A_231], %max3A_229 {strides = array<i32>} : memref<328x128xbf16, #tpu.memory_space<vmem>>, vector<32xbf16>,
        %get3A_233 = arith.constant 3 : i32
        %get3A_234 = arith.index_cast %get3A_233 : i32 to index
        %get3A_235 = arith.constant 16 : index
        %get3A_236 = tpu.vector_load %arg10[%get3A_234, %get3A_235] {strides = array<i32>} : memref<16x64xi32, #tpu.memory_space<vmem>>, vector<16xi32>,
        %bitcast3A_237 = vector.bitcast %get3A_236 : vector<16xi32> to vector<32xbf16>
        %get3A_238 = arith.index_cast %squeeze3A_220 : i32 to index
        %get3A_239 = arith.constant 32 : index
        %get3A_240 = tpu.vector_load %arg11[%get3A_238, %get3A_239] {strides = array<i32>} : memref<328x128xbf16, #tpu.memory_space<vmem>>, vector<32xbf16>,
        %max3A_241 = arith.maximumf %get3A_240, %bitcast3A_237 : vector<32xbf16>
        %swap3A_242 = arith.index_cast %squeeze3A_220 : i32 to index
        %swap3A_243 = arith.constant 32 : index
        %swap3A_244 = tpu.vector_load %arg11[%swap3A_242, %swap3A_243] {strides = array<i32>} : memref<328x128xbf16, #tpu.memory_space<vmem>>, vector<32xbf16>,
        tpu.vector_store %arg11[%swap3A_242, %swap3A_243], %max3A_241 {strides = array<i32>} : memref<328x128xbf16, #tpu.memory_space<vmem>>, vector<32xbf16>,
        %get3A_245 = arith.constant 3 : i32
        %get3A_246 = arith.index_cast %get3A_245 : i32 to index
        %get3A_247 = arith.constant 32 : index
        %get3A_248 = tpu.vector_load %arg10[%get3A_246, %get3A_247] {strides = array<i32>} : memref<16x64xi32, #tpu.memory_space<vmem>>, vector<16xi32>,
        %bitcast3A_249 = vector.bitcast %get3A_248 : vector<16xi32> to vector<32xbf16>
        %get3A_250 = arith.index_cast %squeeze3A_220 : i32 to index
        %get3A_251 = arith.constant 64 : index
        %get3A_252 = tpu.vector_load %arg11[%get3A_250, %get3A_251] {strides = array<i32>} : memref<328x128xbf16, #tpu.memory_space<vmem>>, vector<32xbf16>,
        %max3A_253 = arith.maximumf %get3A_252, %bitcast3A_249 : vector<32xbf16>
        %swap3A_254 = arith.index_cast %squeeze3A_220 : i32 to index
        %swap3A_255 = arith.constant 64 : index
        %swap3A_256 = tpu.vector_load %arg11[%swap3A_254, %swap3A_255] {strides = array<i32>} : memref<328x128xbf16, #tpu.memory_space<vmem>>, vector<32xbf16>,
        tpu.vector_store %arg11[%swap3A_254, %swap3A_255], %max3A_253 {strides = array<i32>} : memref<328x128xbf16, #tpu.memory_space<vmem>>, vector<32xbf16>,
        %get3A_257 = arith.constant 3 : i32
        %get3A_258 = arith.index_cast %get3A_257 : i32 to index
        %get3A_259 = arith.constant 48 : index
        %get3A_260 = tpu.vector_load %arg10[%get3A_258, %get3A_259] {strides = array<i32>} : memref<16x64xi32, #tpu.memory_space<vmem>>, vector<16xi32>,
        %bitcast3A_261 = vector.bitcast %get3A_260 : vector<16xi32> to vector<32xbf16>
        %get3A_262 = arith.index_cast %squeeze3A_220 : i32 to index
        %get3A_263 = arith.constant 96 : index
        %get3A_264 = tpu.vector_load %arg11[%get3A_262, %get3A_263] {strides = array<i32>} : memref<328x128xbf16, #tpu.memory_space<vmem>>, vector<32xbf16>,
        %max3A_265 = arith.maximumf %get3A_264, %bitcast3A_261 : vector<32xbf16>
        %swap3A_266 = arith.index_cast %squeeze3A_220 : i32 to index
        %swap3A_267 = arith.constant 96 : index
        %swap3A_268 = tpu.vector_load %arg11[%swap3A_266, %swap3A_267] {strides = array<i32>} : memref<328x128xbf16, #tpu.memory_space<vmem>>, vector<32xbf16>,
        tpu.vector_store %arg11[%swap3A_266, %swap3A_267], %max3A_265 {strides = array<i32>} : memref<328x128xbf16, #tpu.memory_space<vmem>>, vector<32xbf16>,
        %slice3A_269 = vector.extract_strided_slice %get3A_70 {offsets = [4], sizes = [1], strides = [1]} : vector<16xi32> to vector<1xi32>
        %squeeze3A_270 = vector.extract %slice3A_269[0] : i32 from vector<1xi32>
        %get3A_271 = arith.constant 4 : i32
        %get3A_272 = arith.index_cast %get3A_271 : i32 to index
        %get3A_273 = arith.constant 0 : index
        %get3A_274 = tpu.vector_load %arg10[%get3A_272, %get3A_273] {strides = array<i32>} : memref<16x64xi32, #tpu.memory_space<vmem>>, vector<16xi32>,
        %bitcast3A_275 = vector.bitcast %get3A_274 : vector<16xi32> to vector<32xbf16>
        %get3A_276 = arith.index_cast %squeeze3A_270 : i32 to index
        %get3A_277 = arith.constant 0 : index
        %get3A_278 = tpu.vector_load %arg11[%get3A_276, %get3A_277] {strides = array<i32>} : memref<328x128xbf16, #tpu.memory_space<vmem>>, vector<32xbf16>,
        %max3A_279 = arith.maximumf %get3A_278, %bitcast3A_275 : vector<32xbf16>
        %swap3A_280 = arith.index_cast %squeeze3A_270 : i32 to index
        %swap3A_281 = arith.constant 0 : index
        %swap3A_282 = tpu.vector_load %arg11[%swap3A_280, %swap3A_281] {strides = array<i32>} : memref<328x128xbf16, #tpu.memory_space<vmem>>, vector<32xbf16>,
        tpu.vector_store %arg11[%swap3A_280, %swap3A_281], %max3A_279 {strides = array<i32>} : memref<328x128xbf16, #tpu.memory_space<vmem>>, vector<32xbf16>,
        %get3A_283 = arith.constant 4 : i32
        %get3A_284 = arith.index_cast %get3A_283 : i32 to index
        %get3A_285 = arith.constant 16 : index
        %get3A_286 = tpu.vector_load %arg10[%get3A_284, %get3A_285] {strides = array<i32>} : memref<16x64xi32, #tpu.memory_space<vmem>>, vector<16xi32>,
        %bitcast3A_287 = vector.bitcast %get3A_286 : vector<16xi32> to vector<32xbf16>
        %get3A_288 = arith.index_cast %squeeze3A_270 : i32 to index
        %get3A_289 = arith.constant 32 : index
        %get3A_290 = tpu.vector_load %arg11[%get3A_288, %get3A_289] {strides = array<i32>} : memref<328x128xbf16, #tpu.memory_space<vmem>>, vector<32xbf16>,
        %max3A_291 = arith.maximumf %get3A_290, %bitcast3A_287 : vector<32xbf16>
        %swap3A_292 = arith.index_cast %squeeze3A_270 : i32 to index
        %swap3A_293 = arith.constant 32 : index
        %swap3A_294 = tpu.vector_load %arg11[%swap3A_292, %swap3A_293] {strides = array<i32>} : memref<328x128xbf16, #tpu.memory_space<vmem>>, vector<32xbf16>,
        tpu.vector_store %arg11[%swap3A_292, %swap3A_293], %max3A_291 {strides = array<i32>} : memref<328x128xbf16, #tpu.memory_space<vmem>>, vector<32xbf16>,
        %get3A_295 = arith.constant 4 : i32
        %get3A_296 = arith.index_cast %get3A_295 : i32 to index
        %get3A_297 = arith.constant 32 : index
        %get3A_298 = tpu.vector_load %arg10[%get3A_296, %get3A_297] {strides = array<i32>} : memref<16x64xi32, #tpu.memory_space<vmem>>, vector<16xi32>,
        %bitcast3A_299 = vector.bitcast %get3A_298 : vector<16xi32> to vector<32xbf16>
        %get3A_300 = arith.index_cast %squeeze3A_270 : i32 to index
        %get3A_301 = arith.constant 64 : index
        %get3A_302 = tpu.vector_load %arg11[%get3A_300, %get3A_301] {strides = array<i32>} : memref<328x128xbf16, #tpu.memory_space<vmem>>, vector<32xbf16>,
        %max3A_303 = arith.maximumf %get3A_302, %bitcast3A_299 : vector<32xbf16>
        %swap3A_304 = arith.index_cast %squeeze3A_270 : i32 to index
        %swap3A_305 = arith.constant 64 : index
        %swap3A_306 = tpu.vector_load %arg11[%swap3A_304, %swap3A_305] {strides = array<i32>} : memref<328x128xbf16, #tpu.memory_space<vmem>>, vector<32xbf16>,
        tpu.vector_store %arg11[%swap3A_304, %swap3A_305], %max3A_303 {strides = array<i32>} : memref<328x128xbf16, #tpu.memory_space<vmem>>, vector<32xbf16>,
        %get3A_307 = arith.constant 4 : i32
        %get3A_308 = arith.index_cast %get3A_307 : i32 to index
        %get3A_309 = arith.constant 48 : index
        %get3A_310 = tpu.vector_load %arg10[%get3A_308, %get3A_309] {strides = array<i32>} : memref<16x64xi32, #tpu.memory_space<vmem>>, vector<16xi32>,
        %bitcast3A_311 = vector.bitcast %get3A_310 : vector<16xi32> to vector<32xbf16>
        %get3A_312 = arith.index_cast %squeeze3A_270 : i32 to index
        %get3A_313 = arith.constant 96 : index
        %get3A_314 = tpu.vector_load %arg11[%get3A_312, %get3A_313] {strides = array<i32>} : memref<328x128xbf16, #tpu.memory_space<vmem>>, vector<32xbf16>,
        %max3A_315 = arith.maximumf %get3A_314, %bitcast3A_311 : vector<32xbf16>
        %swap3A_316 = arith.index_cast %squeeze3A_270 : i32 to index
        %swap3A_317 = arith.constant 96 : index
        %swap3A_318 = tpu.vector_load %arg11[%swap3A_316, %swap3A_317] {strides = array<i32>} : memref<328x128xbf16, #tpu.memory_space<vmem>>, vector<32xbf16>,
        tpu.vector_store %arg11[%swap3A_316, %swap3A_317], %max3A_315 {strides = array<i32>} : memref<328x128xbf16, #tpu.memory_space<vmem>>, vector<32xbf16>,
        %slice3A_319 = vector.extract_strided_slice %get3A_70 {offsets = [5], sizes = [1], strides = [1]} : vector<16xi32> to vector<1xi32>
        %squeeze3A_320 = vector.extract %slice3A_319[0] : i32 from vector<1xi32>
        %get3A_321 = arith.constant 5 : i32
        %get3A_322 = arith.index_cast %get3A_321 : i32 to index
        %get3A_323 = arith.constant 0 : index
        %get3A_324 = tpu.vector_load %arg10[%get3A_322, %get3A_323] {strides = array<i32>} : memref<16x64xi32, #tpu.memory_space<vmem>>, vector<16xi32>,
        %bitcast3A_325 = vector.bitcast %get3A_324 : vector<16xi32> to vector<32xbf16>
        %get3A_326 = arith.index_cast %squeeze3A_320 : i32 to index
        %get3A_327 = arith.constant 0 : index
        %get3A_328 = tpu.vector_load %arg11[%get3A_326, %get3A_327] {strides = array<i32>} : memref<328x128xbf16, #tpu.memory_space<vmem>>, vector<32xbf16>,
        %max3A_329 = arith.maximumf %get3A_328, %bitcast3A_325 : vector<32xbf16>
        %swap3A_330 = arith.index_cast %squeeze3A_320 : i32 to index
        %swap3A_331 = arith.constant 0 : index
        %swap3A_332 = tpu.vector_load %arg11[%swap3A_330, %swap3A_331] {strides = array<i32>} : memref<328x128xbf16, #tpu.memory_space<vmem>>, vector<32xbf16>,
        tpu.vector_store %arg11[%swap3A_330, %swap3A_331], %max3A_329 {strides = array<i32>} : memref<328x128xbf16, #tpu.memory_space<vmem>>, vector<32xbf16>,
        %get3A_333 = arith.constant 5 : i32
        %get3A_334 = arith.index_cast %get3A_333 : i32 to index
        %get3A_335 = arith.constant 16 : index
        %get3A_336 = tpu.vector_load %arg10[%get3A_334, %get3A_335] {strides = array<i32>} : memref<16x64xi32, #tpu.memory_space<vmem>>, vector<16xi32>,
        %bitcast3A_337 = vector.bitcast %get3A_336 : vector<16xi32> to vector<32xbf16>
        %get3A_338 = arith.index_cast %squeeze3A_320 : i32 to index
        %get3A_339 = arith.constant 32 : index
        %get3A_340 = tpu.vector_load %arg11[%get3A_338, %get3A_339] {strides = array<i32>} : memref<328x128xbf16, #tpu.memory_space<vmem>>, vector<32xbf16>,
        %max3A_341 = arith.maximumf %get3A_340, %bitcast3A_337 : vector<32xbf16>
        %swap3A_342 = arith.index_cast %squeeze3A_320 : i32 to index
        %swap3A_343 = arith.constant 32 : index
        %swap3A_344 = tpu.vector_load %arg11[%swap3A_342, %swap3A_343] {strides = array<i32>} : memref<328x128xbf16, #tpu.memory_space<vmem>>, vector<32xbf16>,
        tpu.vector_store %arg11[%swap3A_342, %swap3A_343], %max3A_341 {strides = array<i32>} : memref<328x128xbf16, #tpu.memory_space<vmem>>, vector<32xbf16>,
        %get3A_345 = arith.constant 5 : i32
        %get3A_346 = arith.index_cast %get3A_345 : i32 to index
        %get3A_347 = arith.constant 32 : index
        %get3A_348 = tpu.vector_load %arg10[%get3A_346, %get3A_347] {strides = array<i32>} : memref<16x64xi32, #tpu.memory_space<vmem>>, vector<16xi32>,
        %bitcast3A_349 = vector.bitcast %get3A_348 : vector<16xi32> to vector<32xbf16>
        %get3A_350 = arith.index_cast %squeeze3A_320 : i32 to index
        %get3A_351 = arith.constant 64 : index
        %get3A_352 = tpu.vector_load %arg11[%get3A_350, %get3A_351] {strides = array<i32>} : memref<328x128xbf16, #tpu.memory_space<vmem>>, vector<32xbf16>,
        %max3A_353 = arith.maximumf %get3A_352, %bitcast3A_349 : vector<32xbf16>
        %swap3A_354 = arith.index_cast %squeeze3A_320 : i32 to index
        %swap3A_355 = arith.constant 64 : index
        %swap3A_356 = tpu.vector_load %arg11[%swap3A_354, %swap3A_355] {strides = array<i32>} : memref<328x128xbf16, #tpu.memory_space<vmem>>, vector<32xbf16>,
        tpu.vector_store %arg11[%swap3A_354, %swap3A_355], %max3A_353 {strides = array<i32>} : memref<328x128xbf16, #tpu.memory_space<vmem>>, vector<32xbf16>,
        %get3A_357 = arith.constant 5 : i32
        %get3A_358 = arith.index_cast %get3A_357 : i32 to index
        %get3A_359 = arith.constant 48 : index
        %get3A_360 = tpu.vector_load %arg10[%get3A_358, %get3A_359] {strides = array<i32>} : memref<16x64xi32, #tpu.memory_space<vmem>>, vector<16xi32>,
        %bitcast3A_361 = vector.bitcast %get3A_360 : vector<16xi32> to vector<32xbf16>
        %get3A_362 = arith.index_cast %squeeze3A_320 : i32 to index
        %get3A_363 = arith.constant 96 : index
        %get3A_364 = tpu.vector_load %arg11[%get3A_362, %get3A_363] {strides = array<i32>} : memref<328x128xbf16, #tpu.memory_space<vmem>>, vector<32xbf16>,
        %max3A_365 = arith.maximumf %get3A_364, %bitcast3A_361 : vector<32xbf16>
        %swap3A_366 = arith.index_cast %squeeze3A_320 : i32 to index
        %swap3A_367 = arith.constant 96 : index
        %swap3A_368 = tpu.vector_load %arg11[%swap3A_366, %swap3A_367] {strides = array<i32>} : memref<328x128xbf16, #tpu.memory_space<vmem>>, vector<32xbf16>,
        tpu.vector_store %arg11[%swap3A_366, %swap3A_367], %max3A_365 {strides = array<i32>} : memref<328x128xbf16, #tpu.memory_space<vmem>>, vector<32xbf16>,
        %slice3A_369 = vector.extract_strided_slice %get3A_70 {offsets = [6], sizes = [1], strides = [1]} : vector<16xi32> to vector<1xi32>
        %squeeze3A_370 = vector.extract %slice3A_369[0] : i32 from vector<1xi32>
        %get3A_371 = arith.constant 6 : i32
        %get3A_372 = arith.index_cast %get3A_371 : i32 to index
        %get3A_373 = arith.constant 0 : index
        %get3A_374 = tpu.vector_load %arg10[%get3A_372, %get3A_373] {strides = array<i32>} : memref<16x64xi32, #tpu.memory_space<vmem>>, vector<16xi32>,
        %bitcast3A_375 = vector.bitcast %get3A_374 : vector<16xi32> to vector<32xbf16>
        %get3A_376 = arith.index_cast %squeeze3A_370 : i32 to index
        %get3A_377 = arith.constant 0 : index
        %get3A_378 = tpu.vector_load %arg11[%get3A_376, %get3A_377] {strides = array<i32>} : memref<328x128xbf16, #tpu.memory_space<vmem>>, vector<32xbf16>,
        %max3A_379 = arith.maximumf %get3A_378, %bitcast3A_375 : vector<32xbf16>
        %swap3A_380 = arith.index_cast %squeeze3A_370 : i32 to index
        %swap3A_381 = arith.constant 0 : index
        %swap3A_382 = tpu.vector_load %arg11[%swap3A_380, %swap3A_381] {strides = array<i32>} : memref<328x128xbf16, #tpu.memory_space<vmem>>, vector<32xbf16>,
        tpu.vector_store %arg11[%swap3A_380, %swap3A_381], %max3A_379 {strides = array<i32>} : memref<328x128xbf16, #tpu.memory_space<vmem>>, vector<32xbf16>,
        %get3A_383 = arith.constant 6 : i32
        %get3A_384 = arith.index_cast %get3A_383 : i32 to index
        %get3A_385 = arith.constant 16 : index
        %get3A_386 = tpu.vector_load %arg10[%get3A_384, %get3A_385] {strides = array<i32>} : memref<16x64xi32, #tpu.memory_space<vmem>>, vector<16xi32>,
        %bitcast3A_387 = vector.bitcast %get3A_386 : vector<16xi32> to vector<32xbf16>
        %get3A_388 = arith.index_cast %squeeze3A_370 : i32 to index
        %get3A_389 = arith.constant 32 : index
        %get3A_390 = tpu.vector_load %arg11[%get3A_388, %get3A_389] {strides = array<i32>} : memref<328x128xbf16, #tpu.memory_space<vmem>>, vector<32xbf16>,
        %max3A_391 = arith.maximumf %get3A_390, %bitcast3A_387 : vector<32xbf16>
        %swap3A_392 = arith.index_cast %squeeze3A_370 : i32 to index
        %swap3A_393 = arith.constant 32 : index
        %swap3A_394 = tpu.vector_load %arg11[%swap3A_392, %swap3A_393] {strides = array<i32>} : memref<328x128xbf16, #tpu.memory_space<vmem>>, vector<32xbf16>,
        tpu.vector_store %arg11[%swap3A_392, %swap3A_393], %max3A_391 {strides = array<i32>} : memref<328x128xbf16, #tpu.memory_space<vmem>>, vector<32xbf16>,
        %get3A_395 = arith.constant 6 : i32
        %get3A_396 = arith.index_cast %get3A_395 : i32 to index
        %get3A_397 = arith.constant 32 : index
        %get3A_398 = tpu.vector_load %arg10[%get3A_396, %get3A_397] {strides = array<i32>} : memref<16x64xi32, #tpu.memory_space<vmem>>, vector<16xi32>,
        %bitcast3A_399 = vector.bitcast %get3A_398 : vector<16xi32> to vector<32xbf16>
        %get3A_400 = arith.index_cast %squeeze3A_370 : i32 to index
        %get3A_401 = arith.constant 64 : index
        %get3A_402 = tpu.vector_load %arg11[%get3A_400, %get3A_401] {strides = array<i32>} : memref<328x128xbf16, #tpu.memory_space<vmem>>, vector<32xbf16>,
        %max3A_403 = arith.maximumf %get3A_402, %bitcast3A_399 : vector<32xbf16>
        %swap3A_404 = arith.index_cast %squeeze3A_370 : i32 to index
        %swap3A_405 = arith.constant 64 : index
        %swap3A_406 = tpu.vector_load %arg11[%swap3A_404, %swap3A_405] {strides = array<i32>} : memref<328x128xbf16, #tpu.memory_space<vmem>>, vector<32xbf16>,
        tpu.vector_store %arg11[%swap3A_404, %swap3A_405], %max3A_403 {strides = array<i32>} : memref<328x128xbf16, #tpu.memory_space<vmem>>, vector<32xbf16>,
        %get3A_407 = arith.constant 6 : i32
        %get3A_408 = arith.index_cast %get3A_407 : i32 to index
        %get3A_409 = arith.constant 48 : index
        %get3A_410 = tpu.vector_load %arg10[%get3A_408, %get3A_409] {strides = array<i32>} : memref<16x64xi32, #tpu.memory_space<vmem>>, vector<16xi32>,
        %bitcast3A_411 = vector.bitcast %get3A_410 : vector<16xi32> to vector<32xbf16>
        %get3A_412 = arith.index_cast %squeeze3A_370 : i32 to index
        %get3A_413 = arith.constant 96 : index
        %get3A_414 = tpu.vector_load %arg11[%get3A_412, %get3A_413] {strides = array<i32>} : memref<328x128xbf16, #tpu.memory_space<vmem>>, vector<32xbf16>,
        %max3A_415 = arith.maximumf %get3A_414, %bitcast3A_411 : vector<32xbf16>
        %swap3A_416 = arith.index_cast %squeeze3A_370 : i32 to index
        %swap3A_417 = arith.constant 96 : index
        %swap3A_418 = tpu.vector_load %arg11[%swap3A_416, %swap3A_417] {strides = array<i32>} : memref<328x128xbf16, #tpu.memory_space<vmem>>, vector<32xbf16>,
        tpu.vector_store %arg11[%swap3A_416, %swap3A_417], %max3A_415 {strides = array<i32>} : memref<328x128xbf16, #tpu.memory_space<vmem>>, vector<32xbf16>,
        %slice3A_419 = vector.extract_strided_slice %get3A_70 {offsets = [7], sizes = [1], strides = [1]} : vector<16xi32> to vector<1xi32>
        %squeeze3A_420 = vector.extract %slice3A_419[0] : i32 from vector<1xi32>
        %get3A_421 = arith.constant 7 : i32
        %get3A_422 = arith.index_cast %get3A_421 : i32 to index
        %get3A_423 = arith.constant 0 : index
        %get3A_424 = tpu.vector_load %arg10[%get3A_422, %get3A_423] {strides = array<i32>} : memref<16x64xi32, #tpu.memory_space<vmem>>, vector<16xi32>,
        %bitcast3A_425 = vector.bitcast %get3A_424 : vector<16xi32> to vector<32xbf16>
        %get3A_426 = arith.index_cast %squeeze3A_420 : i32 to index
        %get3A_427 = arith.constant 0 : index
        %get3A_428 = tpu.vector_load %arg11[%get3A_426, %get3A_427] {strides = array<i32>} : memref<328x128xbf16, #tpu.memory_space<vmem>>, vector<32xbf16>,
        %max3A_429 = arith.maximumf %get3A_428, %bitcast3A_425 : vector<32xbf16>
        %swap3A_430 = arith.index_cast %squeeze3A_420 : i32 to index
        %swap3A_431 = arith.constant 0 : index
        %swap3A_432 = tpu.vector_load %arg11[%swap3A_430, %swap3A_431] {strides = array<i32>} : memref<328x128xbf16, #tpu.memory_space<vmem>>, vector<32xbf16>,
        tpu.vector_store %arg11[%swap3A_430, %swap3A_431], %max3A_429 {strides = array<i32>} : memref<328x128xbf16, #tpu.memory_space<vmem>>, vector<32xbf16>,
        %get3A_433 = arith.constant 7 : i32
        %get3A_434 = arith.index_cast %get3A_433 : i32 to index
        %get3A_435 = arith.constant 16 : index
        %get3A_436 = tpu.vector_load %arg10[%get3A_434, %get3A_435] {strides = array<i32>} : memref<16x64xi32, #tpu.memory_space<vmem>>, vector<16xi32>,
        %bitcast3A_437 = vector.bitcast %get3A_436 : vector<16xi32> to vector<32xbf16>
        %get3A_438 = arith.index_cast %squeeze3A_420 : i32 to index
        %get3A_439 = arith.constant 32 : index
        %get3A_440 = tpu.vector_load %arg11[%get3A_438, %get3A_439] {strides = array<i32>} : memref<328x128xbf16, #tpu.memory_space<vmem>>, vector<32xbf16>,
        %max3A_441 = arith.maximumf %get3A_440, %bitcast3A_437 : vector<32xbf16>
        %swap3A_442 = arith.index_cast %squeeze3A_420 : i32 to index
        %swap3A_443 = arith.constant 32 : index
        %swap3A_444 = tpu.vector_load %arg11[%swap3A_442, %swap3A_443] {strides = array<i32>} : memref<328x128xbf16, #tpu.memory_space<vmem>>, vector<32xbf16>,
        tpu.vector_store %arg11[%swap3A_442, %swap3A_443], %max3A_441 {strides = array<i32>} : memref<328x128xbf16, #tpu.memory_space<vmem>>, vector<32xbf16>,
        %get3A_445 = arith.constant 7 : i32
        %get3A_446 = arith.index_cast %get3A_445 : i32 to index
        %get3A_447 = arith.constant 32 : index
        %get3A_448 = tpu.vector_load %arg10[%get3A_446, %get3A_447] {strides = array<i32>} : memref<16x64xi32, #tpu.memory_space<vmem>>, vector<16xi32>,
        %bitcast3A_449 = vector.bitcast %get3A_448 : vector<16xi32> to vector<32xbf16>
        %get3A_450 = arith.index_cast %squeeze3A_420 : i32 to index
        %get3A_451 = arith.constant 64 : index
        %get3A_452 = tpu.vector_load %arg11[%get3A_450, %get3A_451] {strides = array<i32>} : memref<328x128xbf16, #tpu.memory_space<vmem>>, vector<32xbf16>,
        %max3A_453 = arith.maximumf %get3A_452, %bitcast3A_449 : vector<32xbf16>
        %swap3A_454 = arith.index_cast %squeeze3A_420 : i32 to index
        %swap3A_455 = arith.constant 64 : index
        %swap3A_456 = tpu.vector_load %arg11[%swap3A_454, %swap3A_455] {strides = array<i32>} : memref<328x128xbf16, #tpu.memory_space<vmem>>, vector<32xbf16>,
        tpu.vector_store %arg11[%swap3A_454, %swap3A_455], %max3A_453 {strides = array<i32>} : memref<328x128xbf16, #tpu.memory_space<vmem>>, vector<32xbf16>,
        %get3A_457 = arith.constant 7 : i32
        %get3A_458 = arith.index_cast %get3A_457 : i32 to index
        %get3A_459 = arith.constant 48 : index
        %get3A_460 = tpu.vector_load %arg10[%get3A_458, %get3A_459] {strides = array<i32>} : memref<16x64xi32, #tpu.memory_space<vmem>>, vector<16xi32>,
        %bitcast3A_461 = vector.bitcast %get3A_460 : vector<16xi32> to vector<32xbf16>
        %get3A_462 = arith.index_cast %squeeze3A_420 : i32 to index
        %get3A_463 = arith.constant 96 : index
        %get3A_464 = tpu.vector_load %arg11[%get3A_462, %get3A_463] {strides = array<i32>} : memref<328x128xbf16, #tpu.memory_space<vmem>>, vector<32xbf16>,
        %max3A_465 = arith.maximumf %get3A_464, %bitcast3A_461 : vector<32xbf16>
        %swap3A_466 = arith.index_cast %squeeze3A_420 : i32 to index
        %swap3A_467 = arith.constant 96 : index
        %swap3A_468 = tpu.vector_load %arg11[%swap3A_466, %swap3A_467] {strides = array<i32>} : memref<328x128xbf16, #tpu.memory_space<vmem>>, vector<32xbf16>,
        tpu.vector_store %arg11[%swap3A_466, %swap3A_467], %max3A_465 {strides = array<i32>} : memref<328x128xbf16, #tpu.memory_space<vmem>>, vector<32xbf16>,
        %slice3A_469 = vector.extract_strided_slice %get3A_70 {offsets = [8], sizes = [1], strides = [1]} : vector<16xi32> to vector<1xi32>
        %squeeze3A_470 = vector.extract %slice3A_469[0] : i32 from vector<1xi32>
        %get3A_471 = arith.constant 8 : i32
        %get3A_472 = arith.index_cast %get3A_471 : i32 to index
        %get3A_473 = arith.constant 0 : index
        %get3A_474 = tpu.vector_load %arg10[%get3A_472, %get3A_473] {strides = array<i32>} : memref<16x64xi32, #tpu.memory_space<vmem>>, vector<16xi32>,
        %bitcast3A_475 = vector.bitcast %get3A_474 : vector<16xi32> to vector<32xbf16>
        %get3A_476 = arith.index_cast %squeeze3A_470 : i32 to index
        %get3A_477 = arith.constant 0 : index
        %get3A_478 = tpu.vector_load %arg11[%get3A_476, %get3A_477] {strides = array<i32>} : memref<328x128xbf16, #tpu.memory_space<vmem>>, vector<32xbf16>,
        %max3A_479 = arith.maximumf %get3A_478, %bitcast3A_475 : vector<32xbf16>
        %swap3A_480 = arith.index_cast %squeeze3A_470 : i32 to index
        %swap3A_481 = arith.constant 0 : index
        %swap3A_482 = tpu.vector_load %arg11[%swap3A_480, %swap3A_481] {strides = array<i32>} : memref<328x128xbf16, #tpu.memory_space<vmem>>, vector<32xbf16>,
        tpu.vector_store %arg11[%swap3A_480, %swap3A_481], %max3A_479 {strides = array<i32>} : memref<328x128xbf16, #tpu.memory_space<vmem>>, vector<32xbf16>,
        %get3A_483 = arith.constant 8 : i32
        %get3A_484 = arith.index_cast %get3A_483 : i32 to index
        %get3A_485 = arith.constant 16 : index
        %get3A_486 = tpu.vector_load %arg10[%get3A_484, %get3A_485] {strides = array<i32>} : memref<16x64xi32, #tpu.memory_space<vmem>>, vector<16xi32>,
        %bitcast3A_487 = vector.bitcast %get3A_486 : vector<16xi32> to vector<32xbf16>
        %get3A_488 = arith.index_cast %squeeze3A_470 : i32 to index
        %get3A_489 = arith.constant 32 : index
        %get3A_490 = tpu.vector_load %arg11[%get3A_488, %get3A_489] {strides = array<i32>} : memref<328x128xbf16, #tpu.memory_space<vmem>>, vector<32xbf16>,
        %max3A_491 = arith.maximumf %get3A_490, %bitcast3A_487 : vector<32xbf16>
        %swap3A_492 = arith.index_cast %squeeze3A_470 : i32 to index
        %swap3A_493 = arith.constant 32 : index
        %swap3A_494 = tpu.vector_load %arg11[%swap3A_492, %swap3A_493] {strides = array<i32>} : memref<328x128xbf16, #tpu.memory_space<vmem>>, vector<32xbf16>,
        tpu.vector_store %arg11[%swap3A_492, %swap3A_493], %max3A_491 {strides = array<i32>} : memref<328x128xbf16, #tpu.memory_space<vmem>>, vector<32xbf16>,
        %get3A_495 = arith.constant 8 : i32
        %get3A_496 = arith.index_cast %get3A_495 : i32 to index
        %get3A_497 = arith.constant 32 : index
        %get3A_498 = tpu.vector_load %arg10[%get3A_496, %get3A_497] {strides = array<i32>} : memref<16x64xi32, #tpu.memory_space<vmem>>, vector<16xi32>,
        %bitcast3A_499 = vector.bitcast %get3A_498 : vector<16xi32> to vector<32xbf16>
        %get3A_500 = arith.index_cast %squeeze3A_470 : i32 to index
        %get3A_501 = arith.constant 64 : index
        %get3A_502 = tpu.vector_load %arg11[%get3A_500, %get3A_501] {strides = array<i32>} : memref<328x128xbf16, #tpu.memory_space<vmem>>, vector<32xbf16>,
        %max3A_503 = arith.maximumf %get3A_502, %bitcast3A_499 : vector<32xbf16>
        %swap3A_504 = arith.index_cast %squeeze3A_470 : i32 to index
        %swap3A_505 = arith.constant 64 : index
        %swap3A_506 = tpu.vector_load %arg11[%swap3A_504, %swap3A_505] {strides = array<i32>} : memref<328x128xbf16, #tpu.memory_space<vmem>>, vector<32xbf16>,
        tpu.vector_store %arg11[%swap3A_504, %swap3A_505], %max3A_503 {strides = array<i32>} : memref<328x128xbf16, #tpu.memory_space<vmem>>, vector<32xbf16>,
        %get3A_507 = arith.constant 8 : i32
        %get3A_508 = arith.index_cast %get3A_507 : i32 to index
        %get3A_509 = arith.constant 48 : index
        %get3A_510 = tpu.vector_load %arg10[%get3A_508, %get3A_509] {strides = array<i32>} : memref<16x64xi32, #tpu.memory_space<vmem>>, vector<16xi32>,
        %bitcast3A_511 = vector.bitcast %get3A_510 : vector<16xi32> to vector<32xbf16>
        %get3A_512 = arith.index_cast %squeeze3A_470 : i32 to index
        %get3A_513 = arith.constant 96 : index
        %get3A_514 = tpu.vector_load %arg11[%get3A_512, %get3A_513] {strides = array<i32>} : memref<328x128xbf16, #tpu.memory_space<vmem>>, vector<32xbf16>,
        %max3A_515 = arith.maximumf %get3A_514, %bitcast3A_511 : vector<32xbf16>
        %swap3A_516 = arith.index_cast %squeeze3A_470 : i32 to index
        %swap3A_517 = arith.constant 96 : index
        %swap3A_518 = tpu.vector_load %arg11[%swap3A_516, %swap3A_517] {strides = array<i32>} : memref<328x128xbf16, #tpu.memory_space<vmem>>, vector<32xbf16>,
        tpu.vector_store %arg11[%swap3A_516, %swap3A_517], %max3A_515 {strides = array<i32>} : memref<328x128xbf16, #tpu.memory_space<vmem>>, vector<32xbf16>,
        %slice3A_519 = vector.extract_strided_slice %get3A_70 {offsets = [9], sizes = [1], strides = [1]} : vector<16xi32> to vector<1xi32>
        %squeeze3A_520 = vector.extract %slice3A_519[0] : i32 from vector<1xi32>
        %get3A_521 = arith.constant 9 : i32
        %get3A_522 = arith.index_cast %get3A_521 : i32 to index
        %get3A_523 = arith.constant 0 : index
        %get3A_524 = tpu.vector_load %arg10[%get3A_522, %get3A_523] {strides = array<i32>} : memref<16x64xi32, #tpu.memory_space<vmem>>, vector<16xi32>,
        %bitcast3A_525 = vector.bitcast %get3A_524 : vector<16xi32> to vector<32xbf16>
        %get3A_526 = arith.index_cast %squeeze3A_520 : i32 to index
        %get3A_527 = arith.constant 0 : index
        %get3A_528 = tpu.vector_load %arg11[%get3A_526, %get3A_527] {strides = array<i32>} : memref<328x128xbf16, #tpu.memory_space<vmem>>, vector<32xbf16>,
        %max3A_529 = arith.maximumf %get3A_528, %bitcast3A_525 : vector<32xbf16>
        %swap3A_530 = arith.index_cast %squeeze3A_520 : i32 to index
        %swap3A_531 = arith.constant 0 : index
        %swap3A_532 = tpu.vector_load %arg11[%swap3A_530, %swap3A_531] {strides = array<i32>} : memref<328x128xbf16, #tpu.memory_space<vmem>>, vector<32xbf16>,
        tpu.vector_store %arg11[%swap3A_530, %swap3A_531], %max3A_529 {strides = array<i32>} : memref<328x128xbf16, #tpu.memory_space<vmem>>, vector<32xbf16>,
        %get3A_533 = arith.constant 9 : i32
        %get3A_534 = arith.index_cast %get3A_533 : i32 to index
        %get3A_535 = arith.constant 16 : index
        %get3A_536 = tpu.vector_load %arg10[%get3A_534, %get3A_535] {strides = array<i32>} : memref<16x64xi32, #tpu.memory_space<vmem>>, vector<16xi32>,
        %bitcast3A_537 = vector.bitcast %get3A_536 : vector<16xi32> to vector<32xbf16>
        %get3A_538 = arith.index_cast %squeeze3A_520 : i32 to index
        %get3A_539 = arith.constant 32 : index
        %get3A_540 = tpu.vector_load %arg11[%get3A_538, %get3A_539] {strides = array<i32>} : memref<328x128xbf16, #tpu.memory_space<vmem>>, vector<32xbf16>,
        %max3A_541 = arith.maximumf %get3A_540, %bitcast3A_537 : vector<32xbf16>
        %swap3A_542 = arith.index_cast %squeeze3A_520 : i32 to index
        %swap3A_543 = arith.constant 32 : index
        %swap3A_544 = tpu.vector_load %arg11[%swap3A_542, %swap3A_543] {strides = array<i32>} : memref<328x128xbf16, #tpu.memory_space<vmem>>, vector<32xbf16>,
        tpu.vector_store %arg11[%swap3A_542, %swap3A_543], %max3A_541 {strides = array<i32>} : memref<328x128xbf16, #tpu.memory_space<vmem>>, vector<32xbf16>,
        %get3A_545 = arith.constant 9 : i32
        %get3A_546 = arith.index_cast %get3A_545 : i32 to index
        %get3A_547 = arith.constant 32 : index
        %get3A_548 = tpu.vector_load %arg10[%get3A_546, %get3A_547] {strides = array<i32>} : memref<16x64xi32, #tpu.memory_space<vmem>>, vector<16xi32>,
        %bitcast3A_549 = vector.bitcast %get3A_548 : vector<16xi32> to vector<32xbf16>
        %get3A_550 = arith.index_cast %squeeze3A_520 : i32 to index
        %get3A_551 = arith.constant 64 : index
        %get3A_552 = tpu.vector_load %arg11[%get3A_550, %get3A_551] {strides = array<i32>} : memref<328x128xbf16, #tpu.memory_space<vmem>>, vector<32xbf16>,
        %max3A_553 = arith.maximumf %get3A_552, %bitcast3A_549 : vector<32xbf16>
        %swap3A_554 = arith.index_cast %squeeze3A_520 : i32 to index
        %swap3A_555 = arith.constant 64 : index
        %swap3A_556 = tpu.vector_load %arg11[%swap3A_554, %swap3A_555] {strides = array<i32>} : memref<328x128xbf16, #tpu.memory_space<vmem>>, vector<32xbf16>,
        tpu.vector_store %arg11[%swap3A_554, %swap3A_555], %max3A_553 {strides = array<i32>} : memref<328x128xbf16, #tpu.memory_space<vmem>>, vector<32xbf16>,
        %get3A_557 = arith.constant 9 : i32
        %get3A_558 = arith.index_cast %get3A_557 : i32 to index
        %get3A_559 = arith.constant 48 : index
        %get3A_560 = tpu.vector_load %arg10[%get3A_558, %get3A_559] {strides = array<i32>} : memref<16x64xi32, #tpu.memory_space<vmem>>, vector<16xi32>,
        %bitcast3A_561 = vector.bitcast %get3A_560 : vector<16xi32> to vector<32xbf16>
        %get3A_562 = arith.index_cast %squeeze3A_520 : i32 to index
        %get3A_563 = arith.constant 96 : index
        %get3A_564 = tpu.vector_load %arg11[%get3A_562, %get3A_563] {strides = array<i32>} : memref<328x128xbf16, #tpu.memory_space<vmem>>, vector<32xbf16>,
        %max3A_565 = arith.maximumf %get3A_564, %bitcast3A_561 : vector<32xbf16>
        %swap3A_566 = arith.index_cast %squeeze3A_520 : i32 to index
        %swap3A_567 = arith.constant 96 : index
        %swap3A_568 = tpu.vector_load %arg11[%swap3A_566, %swap3A_567] {strides = array<i32>} : memref<328x128xbf16, #tpu.memory_space<vmem>>, vector<32xbf16>,
        tpu.vector_store %arg11[%swap3A_566, %swap3A_567], %max3A_565 {strides = array<i32>} : memref<328x128xbf16, #tpu.memory_space<vmem>>, vector<32xbf16>,
        %slice3A_569 = vector.extract_strided_slice %get3A_70 {offsets = [10], sizes = [1], strides = [1]} : vector<16xi32> to vector<1xi32>
        %squeeze3A_570 = vector.extract %slice3A_569[0] : i32 from vector<1xi32>
        %get3A_571 = arith.constant 10 : i32
        %get3A_572 = arith.index_cast %get3A_571 : i32 to index
        %get3A_573 = arith.constant 0 : index
        %get3A_574 = tpu.vector_load %arg10[%get3A_572, %get3A_573] {strides = array<i32>} : memref<16x64xi32, #tpu.memory_space<vmem>>, vector<16xi32>,
        %bitcast3A_575 = vector.bitcast %get3A_574 : vector<16xi32> to vector<32xbf16>
        %get3A_576 = arith.index_cast %squeeze3A_570 : i32 to index
        %get3A_577 = arith.constant 0 : index
        %get3A_578 = tpu.vector_load %arg11[%get3A_576, %get3A_577] {strides = array<i32>} : memref<328x128xbf16, #tpu.memory_space<vmem>>, vector<32xbf16>,
        %max3A_579 = arith.maximumf %get3A_578, %bitcast3A_575 : vector<32xbf16>
        %swap3A_580 = arith.index_cast %squeeze3A_570 : i32 to index
        %swap3A_581 = arith.constant 0 : index
        %swap3A_582 = tpu.vector_load %arg11[%swap3A_580, %swap3A_581] {strides = array<i32>} : memref<328x128xbf16, #tpu.memory_space<vmem>>, vector<32xbf16>,
        tpu.vector_store %arg11[%swap3A_580, %swap3A_581], %max3A_579 {strides = array<i32>} : memref<328x128xbf16, #tpu.memory_space<vmem>>, vector<32xbf16>,
        %get3A_583 = arith.constant 10 : i32
        %get3A_584 = arith.index_cast %get3A_583 : i32 to index
        %get3A_585 = arith.constant 16 : index
        %get3A_586 = tpu.vector_load %arg10[%get3A_584, %get3A_585] {strides = array<i32>} : memref<16x64xi32, #tpu.memory_space<vmem>>, vector<16xi32>,
        %bitcast3A_587 = vector.bitcast %get3A_586 : vector<16xi32> to vector<32xbf16>
        %get3A_588 = arith.index_cast %squeeze3A_570 : i32 to index
        %get3A_589 = arith.constant 32 : index
        %get3A_590 = tpu.vector_load %arg11[%get3A_588, %get3A_589] {strides = array<i32>} : memref<328x128xbf16, #tpu.memory_space<vmem>>, vector<32xbf16>,
        %max3A_591 = arith.maximumf %get3A_590, %bitcast3A_587 : vector<32xbf16>
        %swap3A_592 = arith.index_cast %squeeze3A_570 : i32 to index
        %swap3A_593 = arith.constant 32 : index
        %swap3A_594 = tpu.vector_load %arg11[%swap3A_592, %swap3A_593] {strides = array<i32>} : memref<328x128xbf16, #tpu.memory_space<vmem>>, vector<32xbf16>,
        tpu.vector_store %arg11[%swap3A_592, %swap3A_593], %max3A_591 {strides = array<i32>} : memref<328x128xbf16, #tpu.memory_space<vmem>>, vector<32xbf16>,
        %get3A_595 = arith.constant 10 : i32
        %get3A_596 = arith.index_cast %get3A_595 : i32 to index
        %get3A_597 = arith.constant 32 : index
        %get3A_598 = tpu.vector_load %arg10[%get3A_596, %get3A_597] {strides = array<i32>} : memref<16x64xi32, #tpu.memory_space<vmem>>, vector<16xi32>,
        %bitcast3A_599 = vector.bitcast %get3A_598 : vector<16xi32> to vector<32xbf16>
        %get3A_600 = arith.index_cast %squeeze3A_570 : i32 to index
        %get3A_601 = arith.constant 64 : index
        %get3A_602 = tpu.vector_load %arg11[%get3A_600, %get3A_601] {strides = array<i32>} : memref<328x128xbf16, #tpu.memory_space<vmem>>, vector<32xbf16>,
        %max3A_603 = arith.maximumf %get3A_602, %bitcast3A_599 : vector<32xbf16>
        %swap3A_604 = arith.index_cast %squeeze3A_570 : i32 to index
        %swap3A_605 = arith.constant 64 : index
        %swap3A_606 = tpu.vector_load %arg11[%swap3A_604, %swap3A_605] {strides = array<i32>} : memref<328x128xbf16, #tpu.memory_space<vmem>>, vector<32xbf16>,
        tpu.vector_store %arg11[%swap3A_604, %swap3A_605], %max3A_603 {strides = array<i32>} : memref<328x128xbf16, #tpu.memory_space<vmem>>, vector<32xbf16>,
        %get3A_607 = arith.constant 10 : i32
        %get3A_608 = arith.index_cast %get3A_607 : i32 to index
        %get3A_609 = arith.constant 48 : index
        %get3A_610 = tpu.vector_load %arg10[%get3A_608, %get3A_609] {strides = array<i32>} : memref<16x64xi32, #tpu.memory_space<vmem>>, vector<16xi32>,
        %bitcast3A_611 = vector.bitcast %get3A_610 : vector<16xi32> to vector<32xbf16>
        %get3A_612 = arith.index_cast %squeeze3A_570 : i32 to index
        %get3A_613 = arith.constant 96 : index
        %get3A_614 = tpu.vector_load %arg11[%get3A_612, %get3A_613] {strides = array<i32>} : memref<328x128xbf16, #tpu.memory_space<vmem>>, vector<32xbf16>,
        %max3A_615 = arith.maximumf %get3A_614, %bitcast3A_611 : vector<32xbf16>
        %swap3A_616 = arith.index_cast %squeeze3A_570 : i32 to index
        %swap3A_617 = arith.constant 96 : index
        %swap3A_618 = tpu.vector_load %arg11[%swap3A_616, %swap3A_617] {strides = array<i32>} : memref<328x128xbf16, #tpu.memory_space<vmem>>, vector<32xbf16>,
        tpu.vector_store %arg11[%swap3A_616, %swap3A_617], %max3A_615 {strides = array<i32>} : memref<328x128xbf16, #tpu.memory_space<vmem>>, vector<32xbf16>,
        %slice3A_619 = vector.extract_strided_slice %get3A_70 {offsets = [11], sizes = [1], strides = [1]} : vector<16xi32> to vector<1xi32>
        %squeeze3A_620 = vector.extract %slice3A_619[0] : i32 from vector<1xi32>
        %get3A_621 = arith.constant 11 : i32
        %get3A_622 = arith.index_cast %get3A_621 : i32 to index
        %get3A_623 = arith.constant 0 : index
        %get3A_624 = tpu.vector_load %arg10[%get3A_622, %get3A_623] {strides = array<i32>} : memref<16x64xi32, #tpu.memory_space<vmem>>, vector<16xi32>,
        %bitcast3A_625 = vector.bitcast %get3A_624 : vector<16xi32> to vector<32xbf16>
        %get3A_626 = arith.index_cast %squeeze3A_620 : i32 to index
        %get3A_627 = arith.constant 0 : index
        %get3A_628 = tpu.vector_load %arg11[%get3A_626, %get3A_627] {strides = array<i32>} : memref<328x128xbf16, #tpu.memory_space<vmem>>, vector<32xbf16>,
        %max3A_629 = arith.maximumf %get3A_628, %bitcast3A_625 : vector<32xbf16>
        %swap3A_630 = arith.index_cast %squeeze3A_620 : i32 to index
        %swap3A_631 = arith.constant 0 : index
        %swap3A_632 = tpu.vector_load %arg11[%swap3A_630, %swap3A_631] {strides = array<i32>} : memref<328x128xbf16, #tpu.memory_space<vmem>>, vector<32xbf16>,
        tpu.vector_store %arg11[%swap3A_630, %swap3A_631], %max3A_629 {strides = array<i32>} : memref<328x128xbf16, #tpu.memory_space<vmem>>, vector<32xbf16>,
        %get3A_633 = arith.constant 11 : i32
        %get3A_634 = arith.index_cast %get3A_633 : i32 to index
        %get3A_635 = arith.constant 16 : index
        %get3A_636 = tpu.vector_load %arg10[%get3A_634, %get3A_635] {strides = array<i32>} : memref<16x64xi32, #tpu.memory_space<vmem>>, vector<16xi32>,
        %bitcast3A_637 = vector.bitcast %get3A_636 : vector<16xi32> to vector<32xbf16>
        %get3A_638 = arith.index_cast %squeeze3A_620 : i32 to index
        %get3A_639 = arith.constant 32 : index
        %get3A_640 = tpu.vector_load %arg11[%get3A_638, %get3A_639] {strides = array<i32>} : memref<328x128xbf16, #tpu.memory_space<vmem>>, vector<32xbf16>,
        %max3A_641 = arith.maximumf %get3A_640, %bitcast3A_637 : vector<32xbf16>
        %swap3A_642 = arith.index_cast %squeeze3A_620 : i32 to index
        %swap3A_643 = arith.constant 32 : index
        %swap3A_644 = tpu.vector_load %arg11[%swap3A_642, %swap3A_643] {strides = array<i32>} : memref<328x128xbf16, #tpu.memory_space<vmem>>, vector<32xbf16>,
        tpu.vector_store %arg11[%swap3A_642, %swap3A_643], %max3A_641 {strides = array<i32>} : memref<328x128xbf16, #tpu.memory_space<vmem>>, vector<32xbf16>,
        %get3A_645 = arith.constant 11 : i32
        %get3A_646 = arith.index_cast %get3A_645 : i32 to index
        %get3A_647 = arith.constant 32 : index
        %get3A_648 = tpu.vector_load %arg10[%get3A_646, %get3A_647] {strides = array<i32>} : memref<16x64xi32, #tpu.memory_space<vmem>>, vector<16xi32>,
        %bitcast3A_649 = vector.bitcast %get3A_648 : vector<16xi32> to vector<32xbf16>
        %get3A_650 = arith.index_cast %squeeze3A_620 : i32 to index
        %get3A_651 = arith.constant 64 : index
        %get3A_652 = tpu.vector_load %arg11[%get3A_650, %get3A_651] {strides = array<i32>} : memref<328x128xbf16, #tpu.memory_space<vmem>>, vector<32xbf16>,
        %max3A_653 = arith.maximumf %get3A_652, %bitcast3A_649 : vector<32xbf16>
        %swap3A_654 = arith.index_cast %squeeze3A_620 : i32 to index
        %swap3A_655 = arith.constant 64 : index
        %swap3A_656 = tpu.vector_load %arg11[%swap3A_654, %swap3A_655] {strides = array<i32>} : memref<328x128xbf16, #tpu.memory_space<vmem>>, vector<32xbf16>,
        tpu.vector_store %arg11[%swap3A_654, %swap3A_655], %max3A_653 {strides = array<i32>} : memref<328x128xbf16, #tpu.memory_space<vmem>>, vector<32xbf16>,
        %get3A_657 = arith.constant 11 : i32
        %get3A_658 = arith.index_cast %get3A_657 : i32 to index
        %get3A_659 = arith.constant 48 : index
        %get3A_660 = tpu.vector_load %arg10[%get3A_658, %get3A_659] {strides = array<i32>} : memref<16x64xi32, #tpu.memory_space<vmem>>, vector<16xi32>,
        %bitcast3A_661 = vector.bitcast %get3A_660 : vector<16xi32> to vector<32xbf16>
        %get3A_662 = arith.index_cast %squeeze3A_620 : i32 to index
        %get3A_663 = arith.constant 96 : index
        %get3A_664 = tpu.vector_load %arg11[%get3A_662, %get3A_663] {strides = array<i32>} : memref<328x128xbf16, #tpu.memory_space<vmem>>, vector<32xbf16>,
        %max3A_665 = arith.maximumf %get3A_664, %bitcast3A_661 : vector<32xbf16>
        %swap3A_666 = arith.index_cast %squeeze3A_620 : i32 to index
        %swap3A_667 = arith.constant 96 : index
        %swap3A_668 = tpu.vector_load %arg11[%swap3A_666, %swap3A_667] {strides = array<i32>} : memref<328x128xbf16, #tpu.memory_space<vmem>>, vector<32xbf16>,
        tpu.vector_store %arg11[%swap3A_666, %swap3A_667], %max3A_665 {strides = array<i32>} : memref<328x128xbf16, #tpu.memory_space<vmem>>, vector<32xbf16>,
        %slice3A_669 = vector.extract_strided_slice %get3A_70 {offsets = [12], sizes = [1], strides = [1]} : vector<16xi32> to vector<1xi32>
        %squeeze3A_670 = vector.extract %slice3A_669[0] : i32 from vector<1xi32>
        %get3A_671 = arith.constant 12 : i32
        %get3A_672 = arith.index_cast %get3A_671 : i32 to index
        %get3A_673 = arith.constant 0 : index
        %get3A_674 = tpu.vector_load %arg10[%get3A_672, %get3A_673] {strides = array<i32>} : memref<16x64xi32, #tpu.memory_space<vmem>>, vector<16xi32>,
        %bitcast3A_675 = vector.bitcast %get3A_674 : vector<16xi32> to vector<32xbf16>
        %get3A_676 = arith.index_cast %squeeze3A_670 : i32 to index
        %get3A_677 = arith.constant 0 : index
        %get3A_678 = tpu.vector_load %arg11[%get3A_676, %get3A_677] {strides = array<i32>} : memref<328x128xbf16, #tpu.memory_space<vmem>>, vector<32xbf16>,
        %max3A_679 = arith.maximumf %get3A_678, %bitcast3A_675 : vector<32xbf16>
        %swap3A_680 = arith.index_cast %squeeze3A_670 : i32 to index
        %swap3A_681 = arith.constant 0 : index
        %swap3A_682 = tpu.vector_load %arg11[%swap3A_680, %swap3A_681] {strides = array<i32>} : memref<328x128xbf16, #tpu.memory_space<vmem>>, vector<32xbf16>,
        tpu.vector_store %arg11[%swap3A_680, %swap3A_681], %max3A_679 {strides = array<i32>} : memref<328x128xbf16, #tpu.memory_space<vmem>>, vector<32xbf16>,
        %get3A_683 = arith.constant 12 : i32
        %get3A_684 = arith.index_cast %get3A_683 : i32 to index
        %get3A_685 = arith.constant 16 : index
        %get3A_686 = tpu.vector_load %arg10[%get3A_684, %get3A_685] {strides = array<i32>} : memref<16x64xi32, #tpu.memory_space<vmem>>, vector<16xi32>,
        %bitcast3A_687 = vector.bitcast %get3A_686 : vector<16xi32> to vector<32xbf16>
        %get3A_688 = arith.index_cast %squeeze3A_670 : i32 to index
        %get3A_689 = arith.constant 32 : index
        %get3A_690 = tpu.vector_load %arg11[%get3A_688, %get3A_689] {strides = array<i32>} : memref<328x128xbf16, #tpu.memory_space<vmem>>, vector<32xbf16>,
        %max3A_691 = arith.maximumf %get3A_690, %bitcast3A_687 : vector<32xbf16>
        %swap3A_692 = arith.index_cast %squeeze3A_670 : i32 to index
        %swap3A_693 = arith.constant 32 : index
        %swap3A_694 = tpu.vector_load %arg11[%swap3A_692, %swap3A_693] {strides = array<i32>} : memref<328x128xbf16, #tpu.memory_space<vmem>>, vector<32xbf16>,
        tpu.vector_store %arg11[%swap3A_692, %swap3A_693], %max3A_691 {strides = array<i32>} : memref<328x128xbf16, #tpu.memory_space<vmem>>, vector<32xbf16>,
        %get3A_695 = arith.constant 12 : i32
        %get3A_696 = arith.index_cast %get3A_695 : i32 to index
        %get3A_697 = arith.constant 32 : index
        %get3A_698 = tpu.vector_load %arg10[%get3A_696, %get3A_697] {strides = array<i32>} : memref<16x64xi32, #tpu.memory_space<vmem>>, vector<16xi32>,
        %bitcast3A_699 = vector.bitcast %get3A_698 : vector<16xi32> to vector<32xbf16>
        %get3A_700 = arith.index_cast %squeeze3A_670 : i32 to index
        %get3A_701 = arith.constant 64 : index
        %get3A_702 = tpu.vector_load %arg11[%get3A_700, %get3A_701] {strides = array<i32>} : memref<328x128xbf16, #tpu.memory_space<vmem>>, vector<32xbf16>,
        %max3A_703 = arith.maximumf %get3A_702, %bitcast3A_699 : vector<32xbf16>
        %swap3A_704 = arith.index_cast %squeeze3A_670 : i32 to index
        %swap3A_705 = arith.constant 64 : index
        %swap3A_706 = tpu.vector_load %arg11[%swap3A_704, %swap3A_705] {strides = array<i32>} : memref<328x128xbf16, #tpu.memory_space<vmem>>, vector<32xbf16>,
        tpu.vector_store %arg11[%swap3A_704, %swap3A_705], %max3A_703 {strides = array<i32>} : memref<328x128xbf16, #tpu.memory_space<vmem>>, vector<32xbf16>,
        %get3A_707 = arith.constant 12 : i32
        %get3A_708 = arith.index_cast %get3A_707 : i32 to index
        %get3A_709 = arith.constant 48 : index
        %get3A_710 = tpu.vector_load %arg10[%get3A_708, %get3A_709] {strides = array<i32>} : memref<16x64xi32, #tpu.memory_space<vmem>>, vector<16xi32>,
        %bitcast3A_711 = vector.bitcast %get3A_710 : vector<16xi32> to vector<32xbf16>
        %get3A_712 = arith.index_cast %squeeze3A_670 : i32 to index
        %get3A_713 = arith.constant 96 : index
        %get3A_714 = tpu.vector_load %arg11[%get3A_712, %get3A_713] {strides = array<i32>} : memref<328x128xbf16, #tpu.memory_space<vmem>>, vector<32xbf16>,
        %max3A_715 = arith.maximumf %get3A_714, %bitcast3A_711 : vector<32xbf16>
        %swap3A_716 = arith.index_cast %squeeze3A_670 : i32 to index
        %swap3A_717 = arith.constant 96 : index
        %swap3A_718 = tpu.vector_load %arg11[%swap3A_716, %swap3A_717] {strides = array<i32>} : memref<328x128xbf16, #tpu.memory_space<vmem>>, vector<32xbf16>,
        tpu.vector_store %arg11[%swap3A_716, %swap3A_717], %max3A_715 {strides = array<i32>} : memref<328x128xbf16, #tpu.memory_space<vmem>>, vector<32xbf16>,
        %slice3A_719 = vector.extract_strided_slice %get3A_70 {offsets = [13], sizes = [1], strides = [1]} : vector<16xi32> to vector<1xi32>
        %squeeze3A_720 = vector.extract %slice3A_719[0] : i32 from vector<1xi32>
        %get3A_721 = arith.constant 13 : i32
        %get3A_722 = arith.index_cast %get3A_721 : i32 to index
        %get3A_723 = arith.constant 0 : index
        %get3A_724 = tpu.vector_load %arg10[%get3A_722, %get3A_723] {strides = array<i32>} : memref<16x64xi32, #tpu.memory_space<vmem>>, vector<16xi32>,
        %bitcast3A_725 = vector.bitcast %get3A_724 : vector<16xi32> to vector<32xbf16>
        %get3A_726 = arith.index_cast %squeeze3A_720 : i32 to index
        %get3A_727 = arith.constant 0 : index
        %get3A_728 = tpu.vector_load %arg11[%get3A_726, %get3A_727] {strides = array<i32>} : memref<328x128xbf16, #tpu.memory_space<vmem>>, vector<32xbf16>,
        %max3A_729 = arith.maximumf %get3A_728, %bitcast3A_725 : vector<32xbf16>
        %swap3A_730 = arith.index_cast %squeeze3A_720 : i32 to index
        %swap3A_731 = arith.constant 0 : index
        %swap3A_732 = tpu.vector_load %arg11[%swap3A_730, %swap3A_731] {strides = array<i32>} : memref<328x128xbf16, #tpu.memory_space<vmem>>, vector<32xbf16>,
        tpu.vector_store %arg11[%swap3A_730, %swap3A_731], %max3A_729 {strides = array<i32>} : memref<328x128xbf16, #tpu.memory_space<vmem>>, vector<32xbf16>,
        %get3A_733 = arith.constant 13 : i32
        %get3A_734 = arith.index_cast %get3A_733 : i32 to index
        %get3A_735 = arith.constant 16 : index
        %get3A_736 = tpu.vector_load %arg10[%get3A_734, %get3A_735] {strides = array<i32>} : memref<16x64xi32, #tpu.memory_space<vmem>>, vector<16xi32>,
        %bitcast3A_737 = vector.bitcast %get3A_736 : vector<16xi32> to vector<32xbf16>
        %get3A_738 = arith.index_cast %squeeze3A_720 : i32 to index
        %get3A_739 = arith.constant 32 : index
        %get3A_740 = tpu.vector_load %arg11[%get3A_738, %get3A_739] {strides = array<i32>} : memref<328x128xbf16, #tpu.memory_space<vmem>>, vector<32xbf16>,
        %max3A_741 = arith.maximumf %get3A_740, %bitcast3A_737 : vector<32xbf16>
        %swap3A_742 = arith.index_cast %squeeze3A_720 : i32 to index
        %swap3A_743 = arith.constant 32 : index
        %swap3A_744 = tpu.vector_load %arg11[%swap3A_742, %swap3A_743] {strides = array<i32>} : memref<328x128xbf16, #tpu.memory_space<vmem>>, vector<32xbf16>,
        tpu.vector_store %arg11[%swap3A_742, %swap3A_743], %max3A_741 {strides = array<i32>} : memref<328x128xbf16, #tpu.memory_space<vmem>>, vector<32xbf16>,
        %get3A_745 = arith.constant 13 : i32
        %get3A_746 = arith.index_cast %get3A_745 : i32 to index
        %get3A_747 = arith.constant 32 : index
        %get3A_748 = tpu.vector_load %arg10[%get3A_746, %get3A_747] {strides = array<i32>} : memref<16x64xi32, #tpu.memory_space<vmem>>, vector<16xi32>,
        %bitcast3A_749 = vector.bitcast %get3A_748 : vector<16xi32> to vector<32xbf16>
        %get3A_750 = arith.index_cast %squeeze3A_720 : i32 to index
        %get3A_751 = arith.constant 64 : index
        %get3A_752 = tpu.vector_load %arg11[%get3A_750, %get3A_751] {strides = array<i32>} : memref<328x128xbf16, #tpu.memory_space<vmem>>, vector<32xbf16>,
        %max3A_753 = arith.maximumf %get3A_752, %bitcast3A_749 : vector<32xbf16>
        %swap3A_754 = arith.index_cast %squeeze3A_720 : i32 to index
        %swap3A_755 = arith.constant 64 : index
        %swap3A_756 = tpu.vector_load %arg11[%swap3A_754, %swap3A_755] {strides = array<i32>} : memref<328x128xbf16, #tpu.memory_space<vmem>>, vector<32xbf16>,
        tpu.vector_store %arg11[%swap3A_754, %swap3A_755], %max3A_753 {strides = array<i32>} : memref<328x128xbf16, #tpu.memory_space<vmem>>, vector<32xbf16>,
        %get3A_757 = arith.constant 13 : i32
        %get3A_758 = arith.index_cast %get3A_757 : i32 to index
        %get3A_759 = arith.constant 48 : index
        %get3A_760 = tpu.vector_load %arg10[%get3A_758, %get3A_759] {strides = array<i32>} : memref<16x64xi32, #tpu.memory_space<vmem>>, vector<16xi32>,
        %bitcast3A_761 = vector.bitcast %get3A_760 : vector<16xi32> to vector<32xbf16>
        %get3A_762 = arith.index_cast %squeeze3A_720 : i32 to index
        %get3A_763 = arith.constant 96 : index
        %get3A_764 = tpu.vector_load %arg11[%get3A_762, %get3A_763] {strides = array<i32>} : memref<328x128xbf16, #tpu.memory_space<vmem>>, vector<32xbf16>,
        %max3A_765 = arith.maximumf %get3A_764, %bitcast3A_761 : vector<32xbf16>
        %swap3A_766 = arith.index_cast %squeeze3A_720 : i32 to index
        %swap3A_767 = arith.constant 96 : index
        %swap3A_768 = tpu.vector_load %arg11[%swap3A_766, %swap3A_767] {strides = array<i32>} : memref<328x128xbf16, #tpu.memory_space<vmem>>, vector<32xbf16>,
        tpu.vector_store %arg11[%swap3A_766, %swap3A_767], %max3A_765 {strides = array<i32>} : memref<328x128xbf16, #tpu.memory_space<vmem>>, vector<32xbf16>,
        %slice3A_769 = vector.extract_strided_slice %get3A_70 {offsets = [14], sizes = [1], strides = [1]} : vector<16xi32> to vector<1xi32>
        %squeeze3A_770 = vector.extract %slice3A_769[0] : i32 from vector<1xi32>
        %get3A_771 = arith.constant 14 : i32
        %get3A_772 = arith.index_cast %get3A_771 : i32 to index
        %get3A_773 = arith.constant 0 : index
        %get3A_774 = tpu.vector_load %arg10[%get3A_772, %get3A_773] {strides = array<i32>} : memref<16x64xi32, #tpu.memory_space<vmem>>, vector<16xi32>,
        %bitcast3A_775 = vector.bitcast %get3A_774 : vector<16xi32> to vector<32xbf16>
        %get3A_776 = arith.index_cast %squeeze3A_770 : i32 to index
        %get3A_777 = arith.constant 0 : index
        %get3A_778 = tpu.vector_load %arg11[%get3A_776, %get3A_777] {strides = array<i32>} : memref<328x128xbf16, #tpu.memory_space<vmem>>, vector<32xbf16>,
        %max3A_779 = arith.maximumf %get3A_778, %bitcast3A_775 : vector<32xbf16>
        %swap3A_780 = arith.index_cast %squeeze3A_770 : i32 to index
        %swap3A_781 = arith.constant 0 : index
        %swap3A_782 = tpu.vector_load %arg11[%swap3A_780, %swap3A_781] {strides = array<i32>} : memref<328x128xbf16, #tpu.memory_space<vmem>>, vector<32xbf16>,
        tpu.vector_store %arg11[%swap3A_780, %swap3A_781], %max3A_779 {strides = array<i32>} : memref<328x128xbf16, #tpu.memory_space<vmem>>, vector<32xbf16>,
        %get3A_783 = arith.constant 14 : i32
        %get3A_784 = arith.index_cast %get3A_783 : i32 to index
        %get3A_785 = arith.constant 16 : index
        %get3A_786 = tpu.vector_load %arg10[%get3A_784, %get3A_785] {strides = array<i32>} : memref<16x64xi32, #tpu.memory_space<vmem>>, vector<16xi32>,
        %bitcast3A_787 = vector.bitcast %get3A_786 : vector<16xi32> to vector<32xbf16>
        %get3A_788 = arith.index_cast %squeeze3A_770 : i32 to index
        %get3A_789 = arith.constant 32 : index
        %get3A_790 = tpu.vector_load %arg11[%get3A_788, %get3A_789] {strides = array<i32>} : memref<328x128xbf16, #tpu.memory_space<vmem>>, vector<32xbf16>,
        %max3A_791 = arith.maximumf %get3A_790, %bitcast3A_787 : vector<32xbf16>
        %swap3A_792 = arith.index_cast %squeeze3A_770 : i32 to index
        %swap3A_793 = arith.constant 32 : index
        %swap3A_794 = tpu.vector_load %arg11[%swap3A_792, %swap3A_793] {strides = array<i32>} : memref<328x128xbf16, #tpu.memory_space<vmem>>, vector<32xbf16>,
        tpu.vector_store %arg11[%swap3A_792, %swap3A_793], %max3A_791 {strides = array<i32>} : memref<328x128xbf16, #tpu.memory_space<vmem>>, vector<32xbf16>,
        %get3A_795 = arith.constant 14 : i32
        %get3A_796 = arith.index_cast %get3A_795 : i32 to index
        %get3A_797 = arith.constant 32 : index
        %get3A_798 = tpu.vector_load %arg10[%get3A_796, %get3A_797] {strides = array<i32>} : memref<16x64xi32, #tpu.memory_space<vmem>>, vector<16xi32>,
        %bitcast3A_799 = vector.bitcast %get3A_798 : vector<16xi32> to vector<32xbf16>
        %get3A_800 = arith.index_cast %squeeze3A_770 : i32 to index
        %get3A_801 = arith.constant 64 : index
        %get3A_802 = tpu.vector_load %arg11[%get3A_800, %get3A_801] {strides = array<i32>} : memref<328x128xbf16, #tpu.memory_space<vmem>>, vector<32xbf16>,
        %max3A_803 = arith.maximumf %get3A_802, %bitcast3A_799 : vector<32xbf16>
        %swap3A_804 = arith.index_cast %squeeze3A_770 : i32 to index
        %swap3A_805 = arith.constant 64 : index
        %swap3A_806 = tpu.vector_load %arg11[%swap3A_804, %swap3A_805] {strides = array<i32>} : memref<328x128xbf16, #tpu.memory_space<vmem>>, vector<32xbf16>,
        tpu.vector_store %arg11[%swap3A_804, %swap3A_805], %max3A_803 {strides = array<i32>} : memref<328x128xbf16, #tpu.memory_space<vmem>>, vector<32xbf16>,
        %get3A_807 = arith.constant 14 : i32
        %get3A_808 = arith.index_cast %get3A_807 : i32 to index
        %get3A_809 = arith.constant 48 : index
        %get3A_810 = tpu.vector_load %arg10[%get3A_808, %get3A_809] {strides = array<i32>} : memref<16x64xi32, #tpu.memory_space<vmem>>, vector<16xi32>,
        %bitcast3A_811 = vector.bitcast %get3A_810 : vector<16xi32> to vector<32xbf16>
        %get3A_812 = arith.index_cast %squeeze3A_770 : i32 to index
        %get3A_813 = arith.constant 96 : index
        %get3A_814 = tpu.vector_load %arg11[%get3A_812, %get3A_813] {strides = array<i32>} : memref<328x128xbf16, #tpu.memory_space<vmem>>, vector<32xbf16>,
        %max3A_815 = arith.maximumf %get3A_814, %bitcast3A_811 : vector<32xbf16>
        %swap3A_816 = arith.index_cast %squeeze3A_770 : i32 to index
        %swap3A_817 = arith.constant 96 : index
        %swap3A_818 = tpu.vector_load %arg11[%swap3A_816, %swap3A_817] {strides = array<i32>} : memref<328x128xbf16, #tpu.memory_space<vmem>>, vector<32xbf16>,
        tpu.vector_store %arg11[%swap3A_816, %swap3A_817], %max3A_815 {strides = array<i32>} : memref<328x128xbf16, #tpu.memory_space<vmem>>, vector<32xbf16>,
        %slice3A_819 = vector.extract_strided_slice %get3A_70 {offsets = [15], sizes = [1], strides = [1]} : vector<16xi32> to vector<1xi32>
        %squeeze3A_820 = vector.extract %slice3A_819[0] : i32 from vector<1xi32>
        %get3A_821 = arith.constant 15 : i32
        %get3A_822 = arith.index_cast %get3A_821 : i32 to index
        %get3A_823 = arith.constant 0 : index
        %get3A_824 = tpu.vector_load %arg10[%get3A_822, %get3A_823] {strides = array<i32>} : memref<16x64xi32, #tpu.memory_space<vmem>>, vector<16xi32>,
        %bitcast3A_825 = vector.bitcast %get3A_824 : vector<16xi32> to vector<32xbf16>
        %get3A_826 = arith.index_cast %squeeze3A_820 : i32 to index
        %get3A_827 = arith.constant 0 : index
        %get3A_828 = tpu.vector_load %arg11[%get3A_826, %get3A_827] {strides = array<i32>} : memref<328x128xbf16, #tpu.memory_space<vmem>>, vector<32xbf16>,
        %max3A_829 = arith.maximumf %get3A_828, %bitcast3A_825 : vector<32xbf16>
        %swap3A_830 = arith.index_cast %squeeze3A_820 : i32 to index
        %swap3A_831 = arith.constant 0 : index
        %swap3A_832 = tpu.vector_load %arg11[%swap3A_830, %swap3A_831] {strides = array<i32>} : memref<328x128xbf16, #tpu.memory_space<vmem>>, vector<32xbf16>,
        tpu.vector_store %arg11[%swap3A_830, %swap3A_831], %max3A_829 {strides = array<i32>} : memref<328x128xbf16, #tpu.memory_space<vmem>>, vector<32xbf16>,
        %get3A_833 = arith.constant 15 : i32
        %get3A_834 = arith.index_cast %get3A_833 : i32 to index
        %get3A_835 = arith.constant 16 : index
        %get3A_836 = tpu.vector_load %arg10[%get3A_834, %get3A_835] {strides = array<i32>} : memref<16x64xi32, #tpu.memory_space<vmem>>, vector<16xi32>,
        %bitcast3A_837 = vector.bitcast %get3A_836 : vector<16xi32> to vector<32xbf16>
        %get3A_838 = arith.index_cast %squeeze3A_820 : i32 to index
        %get3A_839 = arith.constant 32 : index
        %get3A_840 = tpu.vector_load %arg11[%get3A_838, %get3A_839] {strides = array<i32>} : memref<328x128xbf16, #tpu.memory_space<vmem>>, vector<32xbf16>,
        %max3A_841 = arith.maximumf %get3A_840, %bitcast3A_837 : vector<32xbf16>
        %swap3A_842 = arith.index_cast %squeeze3A_820 : i32 to index
        %swap3A_843 = arith.constant 32 : index
        %swap3A_844 = tpu.vector_load %arg11[%swap3A_842, %swap3A_843] {strides = array<i32>} : memref<328x128xbf16, #tpu.memory_space<vmem>>, vector<32xbf16>,
        tpu.vector_store %arg11[%swap3A_842, %swap3A_843], %max3A_841 {strides = array<i32>} : memref<328x128xbf16, #tpu.memory_space<vmem>>, vector<32xbf16>,
        %get3A_845 = arith.constant 15 : i32
        %get3A_846 = arith.index_cast %get3A_845 : i32 to index
        %get3A_847 = arith.constant 32 : index
        %get3A_848 = tpu.vector_load %arg10[%get3A_846, %get3A_847] {strides = array<i32>} : memref<16x64xi32, #tpu.memory_space<vmem>>, vector<16xi32>,
        %bitcast3A_849 = vector.bitcast %get3A_848 : vector<16xi32> to vector<32xbf16>
        %get3A_850 = arith.index_cast %squeeze3A_820 : i32 to index
        %get3A_851 = arith.constant 64 : index
        %get3A_852 = tpu.vector_load %arg11[%get3A_850, %get3A_851] {strides = array<i32>} : memref<328x128xbf16, #tpu.memory_space<vmem>>, vector<32xbf16>,
        %max3A_853 = arith.maximumf %get3A_852, %bitcast3A_849 : vector<32xbf16>
        %swap3A_854 = arith.index_cast %squeeze3A_820 : i32 to index
        %swap3A_855 = arith.constant 64 : index
        %swap3A_856 = tpu.vector_load %arg11[%swap3A_854, %swap3A_855] {strides = array<i32>} : memref<328x128xbf16, #tpu.memory_space<vmem>>, vector<32xbf16>,
        tpu.vector_store %arg11[%swap3A_854, %swap3A_855], %max3A_853 {strides = array<i32>} : memref<328x128xbf16, #tpu.memory_space<vmem>>, vector<32xbf16>,
        %get3A_857 = arith.constant 15 : i32
        %get3A_858 = arith.index_cast %get3A_857 : i32 to index
        %get3A_859 = arith.constant 48 : index
        %get3A_860 = tpu.vector_load %arg10[%get3A_858, %get3A_859] {strides = array<i32>} : memref<16x64xi32, #tpu.memory_space<vmem>>, vector<16xi32>,
        %bitcast3A_861 = vector.bitcast %get3A_860 : vector<16xi32> to vector<32xbf16>
        %get3A_862 = arith.index_cast %squeeze3A_820 : i32 to index
        %get3A_863 = arith.constant 96 : index
        %get3A_864 = tpu.vector_load %arg11[%get3A_862, %get3A_863] {strides = array<i32>} : memref<328x128xbf16, #tpu.memory_space<vmem>>, vector<32xbf16>,
        %max3A_865 = arith.maximumf %get3A_864, %bitcast3A_861 : vector<32xbf16>
        %swap3A_866 = arith.index_cast %squeeze3A_820 : i32 to index
        %swap3A_867 = arith.constant 96 : index
        %swap3A_868 = tpu.vector_load %arg11[%swap3A_866, %swap3A_867] {strides = array<i32>} : memref<328x128xbf16, #tpu.memory_space<vmem>>, vector<32xbf16>,
        tpu.vector_store %arg11[%swap3A_866, %swap3A_867], %max3A_865 {strides = array<i32>} : memref<328x128xbf16, #tpu.memory_space<vmem>>, vector<32xbf16>,
      }
      %while3A_60 = arith.constant 1 : i32
      scf.for %while3A_61 = %while3A_58 to %while3A_54 step %while3A_60  : i32 {
        %mul3A_62 = arith.constant 16 : i32
        %mul3A_63 = arith.muli %while3A_61, %mul3A_62 : i32
        %get3A = arith.index_cast %mul3A_63 : i32 to index
        %get3A_64 = tpu.vector_load %arg8[%get3A] {strides = array<i32>} : memref<16016xi32, #tpu.memory_space<vmem>>, vector<16xi32>,
        %dma_start3A = arith.constant 0 : i32
        %dma_start3A_65 = arith.constant 0 : i32
        %dma_start3A_66 = tpu.memref_slice %arg2[%dma_start3A, %dma_start3A_65] : memref<10240x64xi32, #tpu.memory_space<hbm>> -> memref<10240x64xi32, #tpu.memory_space<hbm>>
        tpu.enqueue_indirect_dma source(%dma_start3A_66 : memref<10240x64xi32, #tpu.memory_space<hbm>>) target(%arg10 : memref<16x64xi32, #tpu.memory_space<vmem>>) offsets(%get3A_64 : vector<16xi32>) semaphore(%arg12 : memref<!tpu.dma_semaphore, #tpu.memory_space<semaphore_mem>>)
        %mul3A_67 = arith.constant 16 : i32
        %mul3A_68 = arith.muli %while3A_61, %mul3A_67 : i32
        %get3A_69 = arith.index_cast %mul3A_68 : i32 to index
        %get3A_70 = tpu.vector_load %arg9[%get3A_69] {strides = array<i32>} : memref<16016xi32, #tpu.memory_space<vmem>>, vector<16xi32>,
        %dma_wait3A = arith.constant 0 : i32
        %dma_wait3A_71 = arith.constant 0 : i32
        %dma_wait3A_72 = tpu.memref_slice %arg2[%dma_wait3A, %dma_wait3A_71] : memref<10240x64xi32, #tpu.memory_space<hbm>> -> memref<10240x64xi32, #tpu.memory_space<hbm>>
        tpu.wait_indirect_dma semaphore(%arg12 : memref<!tpu.dma_semaphore, #tpu.memory_space<semaphore_mem>>) src(%dma_wait3A_72 : memref<10240x64xi32, #tpu.memory_space<hbm>>) dst(%arg10 : memref<16x64xi32, #tpu.memory_space<vmem>>)
        %slice3A = vector.extract_strided_slice %get3A_70 {offsets = [0], sizes = [1], strides = [1]} : vector<16xi32> to vector<1xi32>
        %squeeze3A = vector.extract %slice3A[0] : i32 from vector<1xi32>
        %get3A_73 = arith.constant 0 : i32
        %get3A_74 = arith.index_cast %get3A_73 : i32 to index
        %get3A_75 = arith.constant 0 : index
        %get3A_76 = tpu.vector_load %arg10[%get3A_74, %get3A_75] {strides = array<i32>} : memref<16x64xi32, #tpu.memory_space<vmem>>, vector<16xi32>,
        %bitcast3A = vector.bitcast %get3A_76 : vector<16xi32> to vector<32xbf16>
        %get3A_77 = arith.index_cast %squeeze3A : i32 to index
        %get3A_78 = arith.constant 0 : index
        %get3A_79 = tpu.vector_load %arg11[%get3A_77, %get3A_78] {strides = array<i32>} : memref<328x128xbf16, #tpu.memory_space<vmem>>, vector<32xbf16>,
        %max3A = arith.maximumf %get3A_79, %bitcast3A : vector<32xbf16>
        %swap3A_80 = arith.index_cast %squeeze3A : i32 to index
        %swap3A_81 = arith.constant 0 : index
        %swap3A_82 = tpu.vector_load %arg11[%swap3A_80, %swap3A_81] {strides = array<i32>} : memref<328x128xbf16, #tpu.memory_space<vmem>>, vector<32xbf16>,
        tpu.vector_store %arg11[%swap3A_80, %swap3A_81], %max3A {strides = array<i32>} : memref<328x128xbf16, #tpu.memory_space<vmem>>, vector<32xbf16>,
        %get3A_83 = arith.constant 0 : i32
        %get3A_84 = arith.index_cast %get3A_83 : i32 to index
        %get3A_85 = arith.constant 16 : index
        %get3A_86 = tpu.vector_load %arg10[%get3A_84, %get3A_85] {strides = array<i32>} : memref<16x64xi32, #tpu.memory_space<vmem>>, vector<16xi32>,
        %bitcast3A_87 = vector.bitcast %get3A_86 : vector<16xi32> to vector<32xbf16>
        %get3A_88 = arith.index_cast %squeeze3A : i32 to index
        %get3A_89 = arith.constant 32 : index
        %get3A_90 = tpu.vector_load %arg11[%get3A_88, %get3A_89] {strides = array<i32>} : memref<328x128xbf16, #tpu.memory_space<vmem>>, vector<32xbf16>,
        %max3A_91 = arith.maximumf %get3A_90, %bitcast3A_87 : vector<32xbf16>
        %swap3A_92 = arith.index_cast %squeeze3A : i32 to index
        %swap3A_93 = arith.constant 32 : index
        %swap3A_94 = tpu.vector_load %arg11[%swap3A_92, %swap3A_93] {strides = array<i32>} : memref<328x128xbf16, #tpu.memory_space<vmem>>, vector<32xbf16>,
        tpu.vector_store %arg11[%swap3A_92, %swap3A_93], %max3A_91 {strides = array<i32>} : memref<328x128xbf16, #tpu.memory_space<vmem>>, vector<32xbf16>,
        %get3A_95 = arith.constant 0 : i32
        %get3A_96 = arith.index_cast %get3A_95 : i32 to index
        %get3A_97 = arith.constant 32 : index
        %get3A_98 = tpu.vector_load %arg10[%get3A_96, %get3A_97] {strides = array<i32>} : memref<16x64xi32, #tpu.memory_space<vmem>>, vector<16xi32>,
        %bitcast3A_99 = vector.bitcast %get3A_98 : vector<16xi32> to vector<32xbf16>
        %get3A_100 = arith.index_cast %squeeze3A : i32 to index
        %get3A_101 = arith.constant 64 : index
        %get3A_102 = tpu.vector_load %arg11[%get3A_100, %get3A_101] {strides = array<i32>} : memref<328x128xbf16, #tpu.memory_space<vmem>>, vector<32xbf16>,
        %max3A_103 = arith.maximumf %get3A_102, %bitcast3A_99 : vector<32xbf16>
        %swap3A_104 = arith.index_cast %squeeze3A : i32 to index
        %swap3A_105 = arith.constant 64 : index
        %swap3A_106 = tpu.vector_load %arg11[%swap3A_104, %swap3A_105] {strides = array<i32>} : memref<328x128xbf16, #tpu.memory_space<vmem>>, vector<32xbf16>,
        tpu.vector_store %arg11[%swap3A_104, %swap3A_105], %max3A_103 {strides = array<i32>} : memref<328x128xbf16, #tpu.memory_space<vmem>>, vector<32xbf16>,
        %get3A_107 = arith.constant 0 : i32
        %get3A_108 = arith.index_cast %get3A_107 : i32 to index
        %get3A_109 = arith.constant 48 : index
        %get3A_110 = tpu.vector_load %arg10[%get3A_108, %get3A_109] {strides = array<i32>} : memref<16x64xi32, #tpu.memory_space<vmem>>, vector<16xi32>,
        %bitcast3A_111 = vector.bitcast %get3A_110 : vector<16xi32> to vector<32xbf16>
        %get3A_112 = arith.index_cast %squeeze3A : i32 to index
        %get3A_113 = arith.constant 96 : index
        %get3A_114 = tpu.vector_load %arg11[%get3A_112, %get3A_113] {strides = array<i32>} : memref<328x128xbf16, #tpu.memory_space<vmem>>, vector<32xbf16>,
        %max3A_115 = arith.maximumf %get3A_114, %bitcast3A_111 : vector<32xbf16>
        %swap3A_116 = arith.index_cast %squeeze3A : i32 to index
        %swap3A_117 = arith.constant 96 : index
        %swap3A_118 = tpu.vector_load %arg11[%swap3A_116, %swap3A_117] {strides = array<i32>} : memref<328x128xbf16, #tpu.memory_space<vmem>>, vector<32xbf16>,
        tpu.vector_store %arg11[%swap3A_116, %swap3A_117], %max3A_115 {strides = array<i32>} : memref<328x128xbf16, #tpu.memory_space<vmem>>, vector<32xbf16>,
        %slice3A_119 = vector.extract_strided_slice %get3A_70 {offsets = [1], sizes = [1], strides = [1]} : vector<16xi32> to vector<1xi32>
        %squeeze3A_120 = vector.extract %slice3A_119[0] : i32 from vector<1xi32>
        %get3A_121 = arith.constant 1 : i32
        %get3A_122 = arith.index_cast %get3A_121 : i32 to index
        %get3A_123 = arith.constant 0 : index
        %get3A_124 = tpu.vector_load %arg10[%get3A_122, %get3A_123] {strides = array<i32>} : memref<16x64xi32, #tpu.memory_space<vmem>>, vector<16xi32>,
        %bitcast3A_125 = vector.bitcast %get3A_124 : vector<16xi32> to vector<32xbf16>
        %get3A_126 = arith.index_cast %squeeze3A_120 : i32 to index
        %get3A_127 = arith.constant 0 : index
        %get3A_128 = tpu.vector_load %arg11[%get3A_126, %get3A_127] {strides = array<i32>} : memref<328x128xbf16, #tpu.memory_space<vmem>>, vector<32xbf16>,
        %max3A_129 = arith.maximumf %get3A_128, %bitcast3A_125 : vector<32xbf16>
        %swap3A_130 = arith.index_cast %squeeze3A_120 : i32 to index
        %swap3A_131 = arith.constant 0 : index
        %swap3A_132 = tpu.vector_load %arg11[%swap3A_130, %swap3A_131] {strides = array<i32>} : memref<328x128xbf16, #tpu.memory_space<vmem>>, vector<32xbf16>,
        tpu.vector_store %arg11[%swap3A_130, %swap3A_131], %max3A_129 {strides = array<i32>} : memref<328x128xbf16, #tpu.memory_space<vmem>>, vector<32xbf16>,
        %get3A_133 = arith.constant 1 : i32
        %get3A_134 = arith.index_cast %get3A_133 : i32 to index
        %get3A_135 = arith.constant 16 : index
        %get3A_136 = tpu.vector_load %arg10[%get3A_134, %get3A_135] {strides = array<i32>} : memref<16x64xi32, #tpu.memory_space<vmem>>, vector<16xi32>,
        %bitcast3A_137 = vector.bitcast %get3A_136 : vector<16xi32> to vector<32xbf16>
        %get3A_138 = arith.index_cast %squeeze3A_120 : i32 to index
        %get3A_139 = arith.constant 32 : index
        %get3A_140 = tpu.vector_load %arg11[%get3A_138, %get3A_139] {strides = array<i32>} : memref<328x128xbf16, #tpu.memory_space<vmem>>, vector<32xbf16>,
        %max3A_141 = arith.maximumf %get3A_140, %bitcast3A_137 : vector<32xbf16>
        %swap3A_142 = arith.index_cast %squeeze3A_120 : i32 to index
        %swap3A_143 = arith.constant 32 : index
        %swap3A_144 = tpu.vector_load %arg11[%swap3A_142, %swap3A_143] {strides = array<i32>} : memref<328x128xbf16, #tpu.memory_space<vmem>>, vector<32xbf16>,
        tpu.vector_store %arg11[%swap3A_142, %swap3A_143], %max3A_141 {strides = array<i32>} : memref<328x128xbf16, #tpu.memory_space<vmem>>, vector<32xbf16>,
        %get3A_145 = arith.constant 1 : i32
        %get3A_146 = arith.index_cast %get3A_145 : i32 to index
        %get3A_147 = arith.constant 32 : index
        %get3A_148 = tpu.vector_load %arg10[%get3A_146, %get3A_147] {strides = array<i32>} : memref<16x64xi32, #tpu.memory_space<vmem>>, vector<16xi32>,
        %bitcast3A_149 = vector.bitcast %get3A_148 : vector<16xi32> to vector<32xbf16>
        %get3A_150 = arith.index_cast %squeeze3A_120 : i32 to index
        %get3A_151 = arith.constant 64 : index
        %get3A_152 = tpu.vector_load %arg11[%get3A_150, %get3A_151] {strides = array<i32>} : memref<328x128xbf16, #tpu.memory_space<vmem>>, vector<32xbf16>,
        %max3A_153 = arith.maximumf %get3A_152, %bitcast3A_149 : vector<32xbf16>
        %swap3A_154 = arith.index_cast %squeeze3A_120 : i32 to index
        %swap3A_155 = arith.constant 64 : index
        %swap3A_156 = tpu.vector_load %arg11[%swap3A_154, %swap3A_155] {strides = array<i32>} : memref<328x128xbf16, #tpu.memory_space<vmem>>, vector<32xbf16>,
        tpu.vector_store %arg11[%swap3A_154, %swap3A_155], %max3A_153 {strides = array<i32>} : memref<328x128xbf16, #tpu.memory_space<vmem>>, vector<32xbf16>,
        %get3A_157 = arith.constant 1 : i32
        %get3A_158 = arith.index_cast %get3A_157 : i32 to index
        %get3A_159 = arith.constant 48 : index
        %get3A_160 = tpu.vector_load %arg10[%get3A_158, %get3A_159] {strides = array<i32>} : memref<16x64xi32, #tpu.memory_space<vmem>>, vector<16xi32>,
        %bitcast3A_161 = vector.bitcast %get3A_160 : vector<16xi32> to vector<32xbf16>
        %get3A_162 = arith.index_cast %squeeze3A_120 : i32 to index
        %get3A_163 = arith.constant 96 : index
        %get3A_164 = tpu.vector_load %arg11[%get3A_162, %get3A_163] {strides = array<i32>} : memref<328x128xbf16, #tpu.memory_space<vmem>>, vector<32xbf16>,
        %max3A_165 = arith.maximumf %get3A_164, %bitcast3A_161 : vector<32xbf16>
        %swap3A_166 = arith.index_cast %squeeze3A_120 : i32 to index
        %swap3A_167 = arith.constant 96 : index
        %swap3A_168 = tpu.vector_load %arg11[%swap3A_166, %swap3A_167] {strides = array<i32>} : memref<328x128xbf16, #tpu.memory_space<vmem>>, vector<32xbf16>,
        tpu.vector_store %arg11[%swap3A_166, %swap3A_167], %max3A_165 {strides = array<i32>} : memref<328x128xbf16, #tpu.memory_space<vmem>>, vector<32xbf16>,
        %slice3A_169 = vector.extract_strided_slice %get3A_70 {offsets = [2], sizes = [1], strides = [1]} : vector<16xi32> to vector<1xi32>
        %squeeze3A_170 = vector.extract %slice3A_169[0] : i32 from vector<1xi32>
        %get3A_171 = arith.constant 2 : i32
        %get3A_172 = arith.index_cast %get3A_171 : i32 to index
        %get3A_173 = arith.constant 0 : index
        %get3A_174 = tpu.vector_load %arg10[%get3A_172, %get3A_173] {strides = array<i32>} : memref<16x64xi32, #tpu.memory_space<vmem>>, vector<16xi32>,
        %bitcast3A_175 = vector.bitcast %get3A_174 : vector<16xi32> to vector<32xbf16>
        %get3A_176 = arith.index_cast %squeeze3A_170 : i32 to index
        %get3A_177 = arith.constant 0 : index
        %get3A_178 = tpu.vector_load %arg11[%get3A_176, %get3A_177] {strides = array<i32>} : memref<328x128xbf16, #tpu.memory_space<vmem>>, vector<32xbf16>,
        %max3A_179 = arith.maximumf %get3A_178, %bitcast3A_175 : vector<32xbf16>
        %swap3A_180 = arith.index_cast %squeeze3A_170 : i32 to index
        %swap3A_181 = arith.constant 0 : index
        %swap3A_182 = tpu.vector_load %arg11[%swap3A_180, %swap3A_181] {strides = array<i32>} : memref<328x128xbf16, #tpu.memory_space<vmem>>, vector<32xbf16>,
        tpu.vector_store %arg11[%swap3A_180, %swap3A_181], %max3A_179 {strides = array<i32>} : memref<328x128xbf16, #tpu.memory_space<vmem>>, vector<32xbf16>,
        %get3A_183 = arith.constant 2 : i32
        %get3A_184 = arith.index_cast %get3A_183 : i32 to index
        %get3A_185 = arith.constant 16 : index
        %get3A_186 = tpu.vector_load %arg10[%get3A_184, %get3A_185] {strides = array<i32>} : memref<16x64xi32, #tpu.memory_space<vmem>>, vector<16xi32>,
        %bitcast3A_187 = vector.bitcast %get3A_186 : vector<16xi32> to vector<32xbf16>
        %get3A_188 = arith.index_cast %squeeze3A_170 : i32 to index
        %get3A_189 = arith.constant 32 : index
        %get3A_190 = tpu.vector_load %arg11[%get3A_188, %get3A_189] {strides = array<i32>} : memref<328x128xbf16, #tpu.memory_space<vmem>>, vector<32xbf16>,
        %max3A_191 = arith.maximumf %get3A_190, %bitcast3A_187 : vector<32xbf16>
        %swap3A_192 = arith.index_cast %squeeze3A_170 : i32 to index
        %swap3A_193 = arith.constant 32 : index
        %swap3A_194 = tpu.vector_load %arg11[%swap3A_192, %swap3A_193] {strides = array<i32>} : memref<328x128xbf16, #tpu.memory_space<vmem>>, vector<32xbf16>,
        tpu.vector_store %arg11[%swap3A_192, %swap3A_193], %max3A_191 {strides = array<i32>} : memref<328x128xbf16, #tpu.memory_space<vmem>>, vector<32xbf16>,
        %get3A_195 = arith.constant 2 : i32
        %get3A_196 = arith.index_cast %get3A_195 : i32 to index
        %get3A_197 = arith.constant 32 : index
        %get3A_198 = tpu.vector_load %arg10[%get3A_196, %get3A_197] {strides = array<i32>} : memref<16x64xi32, #tpu.memory_space<vmem>>, vector<16xi32>,
        %bitcast3A_199 = vector.bitcast %get3A_198 : vector<16xi32> to vector<32xbf16>
        %get3A_200 = arith.index_cast %squeeze3A_170 : i32 to index
        %get3A_201 = arith.constant 64 : index
        %get3A_202 = tpu.vector_load %arg11[%get3A_200, %get3A_201] {strides = array<i32>} : memref<328x128xbf16, #tpu.memory_space<vmem>>, vector<32xbf16>,
        %max3A_203 = arith.maximumf %get3A_202, %bitcast3A_199 : vector<32xbf16>
        %swap3A_204 = arith.index_cast %squeeze3A_170 : i32 to index
        %swap3A_205 = arith.constant 64 : index
        %swap3A_206 = tpu.vector_load %arg11[%swap3A_204, %swap3A_205] {strides = array<i32>} : memref<328x128xbf16, #tpu.memory_space<vmem>>, vector<32xbf16>,
        tpu.vector_store %arg11[%swap3A_204, %swap3A_205], %max3A_203 {strides = array<i32>} : memref<328x128xbf16, #tpu.memory_space<vmem>>, vector<32xbf16>,
        %get3A_207 = arith.constant 2 : i32
        %get3A_208 = arith.index_cast %get3A_207 : i32 to index
        %get3A_209 = arith.constant 48 : index
        %get3A_210 = tpu.vector_load %arg10[%get3A_208, %get3A_209] {strides = array<i32>} : memref<16x64xi32, #tpu.memory_space<vmem>>, vector<16xi32>,
        %bitcast3A_211 = vector.bitcast %get3A_210 : vector<16xi32> to vector<32xbf16>
        %get3A_212 = arith.index_cast %squeeze3A_170 : i32 to index
        %get3A_213 = arith.constant 96 : index
        %get3A_214 = tpu.vector_load %arg11[%get3A_212, %get3A_213] {strides = array<i32>} : memref<328x128xbf16, #tpu.memory_space<vmem>>, vector<32xbf16>,
        %max3A_215 = arith.maximumf %get3A_214, %bitcast3A_211 : vector<32xbf16>
        %swap3A_216 = arith.index_cast %squeeze3A_170 : i32 to index
        %swap3A_217 = arith.constant 96 : index
        %swap3A_218 = tpu.vector_load %arg11[%swap3A_216, %swap3A_217] {strides = array<i32>} : memref<328x128xbf16, #tpu.memory_space<vmem>>, vector<32xbf16>,
        tpu.vector_store %arg11[%swap3A_216, %swap3A_217], %max3A_215 {strides = array<i32>} : memref<328x128xbf16, #tpu.memory_space<vmem>>, vector<32xbf16>,
        %slice3A_219 = vector.extract_strided_slice %get3A_70 {offsets = [3], sizes = [1], strides = [1]} : vector<16xi32> to vector<1xi32>
        %squeeze3A_220 = vector.extract %slice3A_219[0] : i32 from vector<1xi32>
        %get3A_221 = arith.constant 3 : i32
        %get3A_222 = arith.index_cast %get3A_221 : i32 to index
        %get3A_223 = arith.constant 0 : index
        %get3A_224 = tpu.vector_load %arg10[%get3A_222, %get3A_223] {strides = array<i32>} : memref<16x64xi32, #tpu.memory_space<vmem>>, vector<16xi32>,
        %bitcast3A_225 = vector.bitcast %get3A_224 : vector<16xi32> to vector<32xbf16>
        %get3A_226 = arith.index_cast %squeeze3A_220 : i32 to index
        %get3A_227 = arith.constant 0 : index
        %get3A_228 = tpu.vector_load %arg11[%get3A_226, %get3A_227] {strides = array<i32>} : memref<328x128xbf16, #tpu.memory_space<vmem>>, vector<32xbf16>,
        %max3A_229 = arith.maximumf %get3A_228, %bitcast3A_225 : vector<32xbf16>
        %swap3A_230 = arith.index_cast %squeeze3A_220 : i32 to index
        %swap3A_231 = arith.constant 0 : index
        %swap3A_232 = tpu.vector_load %arg11[%swap3A_230, %swap3A_231] {strides = array<i32>} : memref<328x128xbf16, #tpu.memory_space<vmem>>, vector<32xbf16>,
        tpu.vector_store %arg11[%swap3A_230, %swap3A_231], %max3A_229 {strides = array<i32>} : memref<328x128xbf16, #tpu.memory_space<vmem>>, vector<32xbf16>,
        %get3A_233 = arith.constant 3 : i32
        %get3A_234 = arith.index_cast %get3A_233 : i32 to index
        %get3A_235 = arith.constant 16 : index
        %get3A_236 = tpu.vector_load %arg10[%get3A_234, %get3A_235] {strides = array<i32>} : memref<16x64xi32, #tpu.memory_space<vmem>>, vector<16xi32>,
        %bitcast3A_237 = vector.bitcast %get3A_236 : vector<16xi32> to vector<32xbf16>
        %get3A_238 = arith.index_cast %squeeze3A_220 : i32 to index
        %get3A_239 = arith.constant 32 : index
        %get3A_240 = tpu.vector_load %arg11[%get3A_238, %get3A_239] {strides = array<i32>} : memref<328x128xbf16, #tpu.memory_space<vmem>>, vector<32xbf16>,
        %max3A_241 = arith.maximumf %get3A_240, %bitcast3A_237 : vector<32xbf16>
        %swap3A_242 = arith.index_cast %squeeze3A_220 : i32 to index
        %swap3A_243 = arith.constant 32 : index
        %swap3A_244 = tpu.vector_load %arg11[%swap3A_242, %swap3A_243] {strides = array<i32>} : memref<328x128xbf16, #tpu.memory_space<vmem>>, vector<32xbf16>,
        tpu.vector_store %arg11[%swap3A_242, %swap3A_243], %max3A_241 {strides = array<i32>} : memref<328x128xbf16, #tpu.memory_space<vmem>>, vector<32xbf16>,
        %get3A_245 = arith.constant 3 : i32
        %get3A_246 = arith.index_cast %get3A_245 : i32 to index
        %get3A_247 = arith.constant 32 : index
        %get3A_248 = tpu.vector_load %arg10[%get3A_246, %get3A_247] {strides = array<i32>} : memref<16x64xi32, #tpu.memory_space<vmem>>, vector<16xi32>,
        %bitcast3A_249 = vector.bitcast %get3A_248 : vector<16xi32> to vector<32xbf16>
        %get3A_250 = arith.index_cast %squeeze3A_220 : i32 to index
        %get3A_251 = arith.constant 64 : index
        %get3A_252 = tpu.vector_load %arg11[%get3A_250, %get3A_251] {strides = array<i32>} : memref<328x128xbf16, #tpu.memory_space<vmem>>, vector<32xbf16>,
        %max3A_253 = arith.maximumf %get3A_252, %bitcast3A_249 : vector<32xbf16>
        %swap3A_254 = arith.index_cast %squeeze3A_220 : i32 to index
        %swap3A_255 = arith.constant 64 : index
        %swap3A_256 = tpu.vector_load %arg11[%swap3A_254, %swap3A_255] {strides = array<i32>} : memref<328x128xbf16, #tpu.memory_space<vmem>>, vector<32xbf16>,
        tpu.vector_store %arg11[%swap3A_254, %swap3A_255], %max3A_253 {strides = array<i32>} : memref<328x128xbf16, #tpu.memory_space<vmem>>, vector<32xbf16>,
        %get3A_257 = arith.constant 3 : i32
        %get3A_258 = arith.index_cast %get3A_257 : i32 to index
        %get3A_259 = arith.constant 48 : index
        %get3A_260 = tpu.vector_load %arg10[%get3A_258, %get3A_259] {strides = array<i32>} : memref<16x64xi32, #tpu.memory_space<vmem>>, vector<16xi32>,
        %bitcast3A_261 = vector.bitcast %get3A_260 : vector<16xi32> to vector<32xbf16>
        %get3A_262 = arith.index_cast %squeeze3A_220 : i32 to index
        %get3A_263 = arith.constant 96 : index
        %get3A_264 = tpu.vector_load %arg11[%get3A_262, %get3A_263] {strides = array<i32>} : memref<328x128xbf16, #tpu.memory_space<vmem>>, vector<32xbf16>,
        %max3A_265 = arith.maximumf %get3A_264, %bitcast3A_261 : vector<32xbf16>
        %swap3A_266 = arith.index_cast %squeeze3A_220 : i32 to index
        %swap3A_267 = arith.constant 96 : index
        %swap3A_268 = tpu.vector_load %arg11[%swap3A_266, %swap3A_267] {strides = array<i32>} : memref<328x128xbf16, #tpu.memory_space<vmem>>, vector<32xbf16>,
        tpu.vector_store %arg11[%swap3A_266, %swap3A_267], %max3A_265 {strides = array<i32>} : memref<328x128xbf16, #tpu.memory_space<vmem>>, vector<32xbf16>,
        %slice3A_269 = vector.extract_strided_slice %get3A_70 {offsets = [4], sizes = [1], strides = [1]} : vector<16xi32> to vector<1xi32>
        %squeeze3A_270 = vector.extract %slice3A_269[0] : i32 from vector<1xi32>
        %get3A_271 = arith.constant 4 : i32
        %get3A_272 = arith.index_cast %get3A_271 : i32 to index
        %get3A_273 = arith.constant 0 : index
        %get3A_274 = tpu.vector_load %arg10[%get3A_272, %get3A_273] {strides = array<i32>} : memref<16x64xi32, #tpu.memory_space<vmem>>, vector<16xi32>,
        %bitcast3A_275 = vector.bitcast %get3A_274 : vector<16xi32> to vector<32xbf16>
        %get3A_276 = arith.index_cast %squeeze3A_270 : i32 to index
        %get3A_277 = arith.constant 0 : index
        %get3A_278 = tpu.vector_load %arg11[%get3A_276, %get3A_277] {strides = array<i32>} : memref<328x128xbf16, #tpu.memory_space<vmem>>, vector<32xbf16>,
        %max3A_279 = arith.maximumf %get3A_278, %bitcast3A_275 : vector<32xbf16>
        %swap3A_280 = arith.index_cast %squeeze3A_270 : i32 to index
        %swap3A_281 = arith.constant 0 : index
        %swap3A_282 = tpu.vector_load %arg11[%swap3A_280, %swap3A_281] {strides = array<i32>} : memref<328x128xbf16, #tpu.memory_space<vmem>>, vector<32xbf16>,
        tpu.vector_store %arg11[%swap3A_280, %swap3A_281], %max3A_279 {strides = array<i32>} : memref<328x128xbf16, #tpu.memory_space<vmem>>, vector<32xbf16>,
        %get3A_283 = arith.constant 4 : i32
        %get3A_284 = arith.index_cast %get3A_283 : i32 to index
        %get3A_285 = arith.constant 16 : index
        %get3A_286 = tpu.vector_load %arg10[%get3A_284, %get3A_285] {strides = array<i32>} : memref<16x64xi32, #tpu.memory_space<vmem>>, vector<16xi32>,
        %bitcast3A_287 = vector.bitcast %get3A_286 : vector<16xi32> to vector<32xbf16>
        %get3A_288 = arith.index_cast %squeeze3A_270 : i32 to index
        %get3A_289 = arith.constant 32 : index
        %get3A_290 = tpu.vector_load %arg11[%get3A_288, %get3A_289] {strides = array<i32>} : memref<328x128xbf16, #tpu.memory_space<vmem>>, vector<32xbf16>,
        %max3A_291 = arith.maximumf %get3A_290, %bitcast3A_287 : vector<32xbf16>
        %swap3A_292 = arith.index_cast %squeeze3A_270 : i32 to index
        %swap3A_293 = arith.constant 32 : index
        %swap3A_294 = tpu.vector_load %arg11[%swap3A_292, %swap3A_293] {strides = array<i32>} : memref<328x128xbf16, #tpu.memory_space<vmem>>, vector<32xbf16>,
        tpu.vector_store %arg11[%swap3A_292, %swap3A_293], %max3A_291 {strides = array<i32>} : memref<328x128xbf16, #tpu.memory_space<vmem>>, vector<32xbf16>,
        %get3A_295 = arith.constant 4 : i32
        %get3A_296 = arith.index_cast %get3A_295 : i32 to index
        %get3A_297 = arith.constant 32 : index
        %get3A_298 = tpu.vector_load %arg10[%get3A_296, %get3A_297] {strides = array<i32>} : memref<16x64xi32, #tpu.memory_space<vmem>>, vector<16xi32>,
        %bitcast3A_299 = vector.bitcast %get3A_298 : vector<16xi32> to vector<32xbf16>
        %get3A_300 = arith.index_cast %squeeze3A_270 : i32 to index
        %get3A_301 = arith.constant 64 : index
        %get3A_302 = tpu.vector_load %arg11[%get3A_300, %get3A_301] {strides = array<i32>} : memref<328x128xbf16, #tpu.memory_space<vmem>>, vector<32xbf16>,
        %max3A_303 = arith.maximumf %get3A_302, %bitcast3A_299 : vector<32xbf16>
        %swap3A_304 = arith.index_cast %squeeze3A_270 : i32 to index
        %swap3A_305 = arith.constant 64 : index
        %swap3A_306 = tpu.vector_load %arg11[%swap3A_304, %swap3A_305] {strides = array<i32>} : memref<328x128xbf16, #tpu.memory_space<vmem>>, vector<32xbf16>,
        tpu.vector_store %arg11[%swap3A_304, %swap3A_305], %max3A_303 {strides = array<i32>} : memref<328x128xbf16, #tpu.memory_space<vmem>>, vector<32xbf16>,
        %get3A_307 = arith.constant 4 : i32
        %get3A_308 = arith.index_cast %get3A_307 : i32 to index
        %get3A_309 = arith.constant 48 : index
        %get3A_310 = tpu.vector_load %arg10[%get3A_308, %get3A_309] {strides = array<i32>} : memref<16x64xi32, #tpu.memory_space<vmem>>, vector<16xi32>,
        %bitcast3A_311 = vector.bitcast %get3A_310 : vector<16xi32> to vector<32xbf16>
        %get3A_312 = arith.index_cast %squeeze3A_270 : i32 to index
        %get3A_313 = arith.constant 96 : index
        %get3A_314 = tpu.vector_load %arg11[%get3A_312, %get3A_313] {strides = array<i32>} : memref<328x128xbf16, #tpu.memory_space<vmem>>, vector<32xbf16>,
        %max3A_315 = arith.maximumf %get3A_314, %bitcast3A_311 : vector<32xbf16>
        %swap3A_316 = arith.index_cast %squeeze3A_270 : i32 to index
        %swap3A_317 = arith.constant 96 : index
        %swap3A_318 = tpu.vector_load %arg11[%swap3A_316, %swap3A_317] {strides = array<i32>} : memref<328x128xbf16, #tpu.memory_space<vmem>>, vector<32xbf16>,
        tpu.vector_store %arg11[%swap3A_316, %swap3A_317], %max3A_315 {strides = array<i32>} : memref<328x128xbf16, #tpu.memory_space<vmem>>, vector<32xbf16>,
        %slice3A_319 = vector.extract_strided_slice %get3A_70 {offsets = [5], sizes = [1], strides = [1]} : vector<16xi32> to vector<1xi32>
        %squeeze3A_320 = vector.extract %slice3A_319[0] : i32 from vector<1xi32>
        %get3A_321 = arith.constant 5 : i32
        %get3A_322 = arith.index_cast %get3A_321 : i32 to index
        %get3A_323 = arith.constant 0 : index
        %get3A_324 = tpu.vector_load %arg10[%get3A_322, %get3A_323] {strides = array<i32>} : memref<16x64xi32, #tpu.memory_space<vmem>>, vector<16xi32>,
        %bitcast3A_325 = vector.bitcast %get3A_324 : vector<16xi32> to vector<32xbf16>
        %get3A_326 = arith.index_cast %squeeze3A_320 : i32 to index
        %get3A_327 = arith.constant 0 : index
        %get3A_328 = tpu.vector_load %arg11[%get3A_326, %get3A_327] {strides = array<i32>} : memref<328x128xbf16, #tpu.memory_space<vmem>>, vector<32xbf16>,
        %max3A_329 = arith.maximumf %get3A_328, %bitcast3A_325 : vector<32xbf16>
        %swap3A_330 = arith.index_cast %squeeze3A_320 : i32 to index
        %swap3A_331 = arith.constant 0 : index
        %swap3A_332 = tpu.vector_load %arg11[%swap3A_330, %swap3A_331] {strides = array<i32>} : memref<328x128xbf16, #tpu.memory_space<vmem>>, vector<32xbf16>,
        tpu.vector_store %arg11[%swap3A_330, %swap3A_331], %max3A_329 {strides = array<i32>} : memref<328x128xbf16, #tpu.memory_space<vmem>>, vector<32xbf16>,
        %get3A_333 = arith.constant 5 : i32
        %get3A_334 = arith.index_cast %get3A_333 : i32 to index
        %get3A_335 = arith.constant 16 : index
        %get3A_336 = tpu.vector_load %arg10[%get3A_334, %get3A_335] {strides = array<i32>} : memref<16x64xi32, #tpu.memory_space<vmem>>, vector<16xi32>,
        %bitcast3A_337 = vector.bitcast %get3A_336 : vector<16xi32> to vector<32xbf16>
        %get3A_338 = arith.index_cast %squeeze3A_320 : i32 to index
        %get3A_339 = arith.constant 32 : index
        %get3A_340 = tpu.vector_load %arg11[%get3A_338, %get3A_339] {strides = array<i32>} : memref<328x128xbf16, #tpu.memory_space<vmem>>, vector<32xbf16>,
        %max3A_341 = arith.maximumf %get3A_340, %bitcast3A_337 : vector<32xbf16>
        %swap3A_342 = arith.index_cast %squeeze3A_320 : i32 to index
        %swap3A_343 = arith.constant 32 : index
        %swap3A_344 = tpu.vector_load %arg11[%swap3A_342, %swap3A_343] {strides = array<i32>} : memref<328x128xbf16, #tpu.memory_space<vmem>>, vector<32xbf16>,
        tpu.vector_store %arg11[%swap3A_342, %swap3A_343], %max3A_341 {strides = array<i32>} : memref<328x128xbf16, #tpu.memory_space<vmem>>, vector<32xbf16>,
        %get3A_345 = arith.constant 5 : i32
        %get3A_346 = arith.index_cast %get3A_345 : i32 to index
        %get3A_347 = arith.constant 32 : index
        %get3A_348 = tpu.vector_load %arg10[%get3A_346, %get3A_347] {strides = array<i32>} : memref<16x64xi32, #tpu.memory_space<vmem>>, vector<16xi32>,
        %bitcast3A_349 = vector.bitcast %get3A_348 : vector<16xi32> to vector<32xbf16>
        %get3A_350 = arith.index_cast %squeeze3A_320 : i32 to index
        %get3A_351 = arith.constant 64 : index
        %get3A_352 = tpu.vector_load %arg11[%get3A_350, %get3A_351] {strides = array<i32>} : memref<328x128xbf16, #tpu.memory_space<vmem>>, vector<32xbf16>,
        %max3A_353 = arith.maximumf %get3A_352, %bitcast3A_349 : vector<32xbf16>
        %swap3A_354 = arith.index_cast %squeeze3A_320 : i32 to index
        %swap3A_355 = arith.constant 64 : index
        %swap3A_356 = tpu.vector_load %arg11[%swap3A_354, %swap3A_355] {strides = array<i32>} : memref<328x128xbf16, #tpu.memory_space<vmem>>, vector<32xbf16>,
        tpu.vector_store %arg11[%swap3A_354, %swap3A_355], %max3A_353 {strides = array<i32>} : memref<328x128xbf16, #tpu.memory_space<vmem>>, vector<32xbf16>,
        %get3A_357 = arith.constant 5 : i32
        %get3A_358 = arith.index_cast %get3A_357 : i32 to index
        %get3A_359 = arith.constant 48 : index
        %get3A_360 = tpu.vector_load %arg10[%get3A_358, %get3A_359] {strides = array<i32>} : memref<16x64xi32, #tpu.memory_space<vmem>>, vector<16xi32>,
        %bitcast3A_361 = vector.bitcast %get3A_360 : vector<16xi32> to vector<32xbf16>
        %get3A_362 = arith.index_cast %squeeze3A_320 : i32 to index
        %get3A_363 = arith.constant 96 : index
        %get3A_364 = tpu.vector_load %arg11[%get3A_362, %get3A_363] {strides = array<i32>} : memref<328x128xbf16, #tpu.memory_space<vmem>>, vector<32xbf16>,
        %max3A_365 = arith.maximumf %get3A_364, %bitcast3A_361 : vector<32xbf16>
        %swap3A_366 = arith.index_cast %squeeze3A_320 : i32 to index
        %swap3A_367 = arith.constant 96 : index
        %swap3A_368 = tpu.vector_load %arg11[%swap3A_366, %swap3A_367] {strides = array<i32>} : memref<328x128xbf16, #tpu.memory_space<vmem>>, vector<32xbf16>,
        tpu.vector_store %arg11[%swap3A_366, %swap3A_367], %max3A_365 {strides = array<i32>} : memref<328x128xbf16, #tpu.memory_space<vmem>>, vector<32xbf16>,
        %slice3A_369 = vector.extract_strided_slice %get3A_70 {offsets = [6], sizes = [1], strides = [1]} : vector<16xi32> to vector<1xi32>
        %squeeze3A_370 = vector.extract %slice3A_369[0] : i32 from vector<1xi32>
        %get3A_371 = arith.constant 6 : i32
        %get3A_372 = arith.index_cast %get3A_371 : i32 to index
        %get3A_373 = arith.constant 0 : index
        %get3A_374 = tpu.vector_load %arg10[%get3A_372, %get3A_373] {strides = array<i32>} : memref<16x64xi32, #tpu.memory_space<vmem>>, vector<16xi32>,
        %bitcast3A_375 = vector.bitcast %get3A_374 : vector<16xi32> to vector<32xbf16>
        %get3A_376 = arith.index_cast %squeeze3A_370 : i32 to index
        %get3A_377 = arith.constant 0 : index
        %get3A_378 = tpu.vector_load %arg11[%get3A_376, %get3A_377] {strides = array<i32>} : memref<328x128xbf16, #tpu.memory_space<vmem>>, vector<32xbf16>,
        %max3A_379 = arith.maximumf %get3A_378, %bitcast3A_375 : vector<32xbf16>
        %swap3A_380 = arith.index_cast %squeeze3A_370 : i32 to index
        %swap3A_381 = arith.constant 0 : index
        %swap3A_382 = tpu.vector_load %arg11[%swap3A_380, %swap3A_381] {strides = array<i32>} : memref<328x128xbf16, #tpu.memory_space<vmem>>, vector<32xbf16>,
        tpu.vector_store %arg11[%swap3A_380, %swap3A_381], %max3A_379 {strides = array<i32>} : memref<328x128xbf16, #tpu.memory_space<vmem>>, vector<32xbf16>,
        %get3A_383 = arith.constant 6 : i32
        %get3A_384 = arith.index_cast %get3A_383 : i32 to index
        %get3A_385 = arith.constant 16 : index
        %get3A_386 = tpu.vector_load %arg10[%get3A_384, %get3A_385] {strides = array<i32>} : memref<16x64xi32, #tpu.memory_space<vmem>>, vector<16xi32>,
        %bitcast3A_387 = vector.bitcast %get3A_386 : vector<16xi32> to vector<32xbf16>
        %get3A_388 = arith.index_cast %squeeze3A_370 : i32 to index
        %get3A_389 = arith.constant 32 : index
        %get3A_390 = tpu.vector_load %arg11[%get3A_388, %get3A_389] {strides = array<i32>} : memref<328x128xbf16, #tpu.memory_space<vmem>>, vector<32xbf16>,
        %max3A_391 = arith.maximumf %get3A_390, %bitcast3A_387 : vector<32xbf16>
        %swap3A_392 = arith.index_cast %squeeze3A_370 : i32 to index
        %swap3A_393 = arith.constant 32 : index
        %swap3A_394 = tpu.vector_load %arg11[%swap3A_392, %swap3A_393] {strides = array<i32>} : memref<328x128xbf16, #tpu.memory_space<vmem>>, vector<32xbf16>,
        tpu.vector_store %arg11[%swap3A_392, %swap3A_393], %max3A_391 {strides = array<i32>} : memref<328x128xbf16, #tpu.memory_space<vmem>>, vector<32xbf16>,
        %get3A_395 = arith.constant 6 : i32
        %get3A_396 = arith.index_cast %get3A_395 : i32 to index
        %get3A_397 = arith.constant 32 : index
        %get3A_398 = tpu.vector_load %arg10[%get3A_396, %get3A_397] {strides = array<i32>} : memref<16x64xi32, #tpu.memory_space<vmem>>, vector<16xi32>,
        %bitcast3A_399 = vector.bitcast %get3A_398 : vector<16xi32> to vector<32xbf16>
        %get3A_400 = arith.index_cast %squeeze3A_370 : i32 to index
        %get3A_401 = arith.constant 64 : index
        %get3A_402 = tpu.vector_load %arg11[%get3A_400, %get3A_401] {strides = array<i32>} : memref<328x128xbf16, #tpu.memory_space<vmem>>, vector<32xbf16>,
        %max3A_403 = arith.maximumf %get3A_402, %bitcast3A_399 : vector<32xbf16>
        %swap3A_404 = arith.index_cast %squeeze3A_370 : i32 to index
        %swap3A_405 = arith.constant 64 : index
        %swap3A_406 = tpu.vector_load %arg11[%swap3A_404, %swap3A_405] {strides = array<i32>} : memref<328x128xbf16, #tpu.memory_space<vmem>>, vector<32xbf16>,
        tpu.vector_store %arg11[%swap3A_404, %swap3A_405], %max3A_403 {strides = array<i32>} : memref<328x128xbf16, #tpu.memory_space<vmem>>, vector<32xbf16>,
        %get3A_407 = arith.constant 6 : i32
        %get3A_408 = arith.index_cast %get3A_407 : i32 to index
        %get3A_409 = arith.constant 48 : index
        %get3A_410 = tpu.vector_load %arg10[%get3A_408, %get3A_409] {strides = array<i32>} : memref<16x64xi32, #tpu.memory_space<vmem>>, vector<16xi32>,
        %bitcast3A_411 = vector.bitcast %get3A_410 : vector<16xi32> to vector<32xbf16>
        %get3A_412 = arith.index_cast %squeeze3A_370 : i32 to index
        %get3A_413 = arith.constant 96 : index
        %get3A_414 = tpu.vector_load %arg11[%get3A_412, %get3A_413] {strides = array<i32>} : memref<328x128xbf16, #tpu.memory_space<vmem>>, vector<32xbf16>,
        %max3A_415 = arith.maximumf %get3A_414, %bitcast3A_411 : vector<32xbf16>
        %swap3A_416 = arith.index_cast %squeeze3A_370 : i32 to index
        %swap3A_417 = arith.constant 96 : index
        %swap3A_418 = tpu.vector_load %arg11[%swap3A_416, %swap3A_417] {strides = array<i32>} : memref<328x128xbf16, #tpu.memory_space<vmem>>, vector<32xbf16>,
        tpu.vector_store %arg11[%swap3A_416, %swap3A_417], %max3A_415 {strides = array<i32>} : memref<328x128xbf16, #tpu.memory_space<vmem>>, vector<32xbf16>,
        %slice3A_419 = vector.extract_strided_slice %get3A_70 {offsets = [7], sizes = [1], strides = [1]} : vector<16xi32> to vector<1xi32>
        %squeeze3A_420 = vector.extract %slice3A_419[0] : i32 from vector<1xi32>
        %get3A_421 = arith.constant 7 : i32
        %get3A_422 = arith.index_cast %get3A_421 : i32 to index
        %get3A_423 = arith.constant 0 : index
        %get3A_424 = tpu.vector_load %arg10[%get3A_422, %get3A_423] {strides = array<i32>} : memref<16x64xi32, #tpu.memory_space<vmem>>, vector<16xi32>,
        %bitcast3A_425 = vector.bitcast %get3A_424 : vector<16xi32> to vector<32xbf16>
        %get3A_426 = arith.index_cast %squeeze3A_420 : i32 to index
        %get3A_427 = arith.constant 0 : index
        %get3A_428 = tpu.vector_load %arg11[%get3A_426, %get3A_427] {strides = array<i32>} : memref<328x128xbf16, #tpu.memory_space<vmem>>, vector<32xbf16>,
        %max3A_429 = arith.maximumf %get3A_428, %bitcast3A_425 : vector<32xbf16>
        %swap3A_430 = arith.index_cast %squeeze3A_420 : i32 to index
        %swap3A_431 = arith.constant 0 : index
        %swap3A_432 = tpu.vector_load %arg11[%swap3A_430, %swap3A_431] {strides = array<i32>} : memref<328x128xbf16, #tpu.memory_space<vmem>>, vector<32xbf16>,
        tpu.vector_store %arg11[%swap3A_430, %swap3A_431], %max3A_429 {strides = array<i32>} : memref<328x128xbf16, #tpu.memory_space<vmem>>, vector<32xbf16>,
        %get3A_433 = arith.constant 7 : i32
        %get3A_434 = arith.index_cast %get3A_433 : i32 to index
        %get3A_435 = arith.constant 16 : index
        %get3A_436 = tpu.vector_load %arg10[%get3A_434, %get3A_435] {strides = array<i32>} : memref<16x64xi32, #tpu.memory_space<vmem>>, vector<16xi32>,
        %bitcast3A_437 = vector.bitcast %get3A_436 : vector<16xi32> to vector<32xbf16>
        %get3A_438 = arith.index_cast %squeeze3A_420 : i32 to index
        %get3A_439 = arith.constant 32 : index
        %get3A_440 = tpu.vector_load %arg11[%get3A_438, %get3A_439] {strides = array<i32>} : memref<328x128xbf16, #tpu.memory_space<vmem>>, vector<32xbf16>,
        %max3A_441 = arith.maximumf %get3A_440, %bitcast3A_437 : vector<32xbf16>
        %swap3A_442 = arith.index_cast %squeeze3A_420 : i32 to index
        %swap3A_443 = arith.constant 32 : index
        %swap3A_444 = tpu.vector_load %arg11[%swap3A_442, %swap3A_443] {strides = array<i32>} : memref<328x128xbf16, #tpu.memory_space<vmem>>, vector<32xbf16>,
        tpu.vector_store %arg11[%swap3A_442, %swap3A_443], %max3A_441 {strides = array<i32>} : memref<328x128xbf16, #tpu.memory_space<vmem>>, vector<32xbf16>,
        %get3A_445 = arith.constant 7 : i32
        %get3A_446 = arith.index_cast %get3A_445 : i32 to index
        %get3A_447 = arith.constant 32 : index
        %get3A_448 = tpu.vector_load %arg10[%get3A_446, %get3A_447] {strides = array<i32>} : memref<16x64xi32, #tpu.memory_space<vmem>>, vector<16xi32>,
        %bitcast3A_449 = vector.bitcast %get3A_448 : vector<16xi32> to vector<32xbf16>
        %get3A_450 = arith.index_cast %squeeze3A_420 : i32 to index
        %get3A_451 = arith.constant 64 : index
        %get3A_452 = tpu.vector_load %arg11[%get3A_450, %get3A_451] {strides = array<i32>} : memref<328x128xbf16, #tpu.memory_space<vmem>>, vector<32xbf16>,
        %max3A_453 = arith.maximumf %get3A_452, %bitcast3A_449 : vector<32xbf16>
        %swap3A_454 = arith.index_cast %squeeze3A_420 : i32 to index
        %swap3A_455 = arith.constant 64 : index
        %swap3A_456 = tpu.vector_load %arg11[%swap3A_454, %swap3A_455] {strides = array<i32>} : memref<328x128xbf16, #tpu.memory_space<vmem>>, vector<32xbf16>,
        tpu.vector_store %arg11[%swap3A_454, %swap3A_455], %max3A_453 {strides = array<i32>} : memref<328x128xbf16, #tpu.memory_space<vmem>>, vector<32xbf16>,
        %get3A_457 = arith.constant 7 : i32
        %get3A_458 = arith.index_cast %get3A_457 : i32 to index
        %get3A_459 = arith.constant 48 : index
        %get3A_460 = tpu.vector_load %arg10[%get3A_458, %get3A_459] {strides = array<i32>} : memref<16x64xi32, #tpu.memory_space<vmem>>, vector<16xi32>,
        %bitcast3A_461 = vector.bitcast %get3A_460 : vector<16xi32> to vector<32xbf16>
        %get3A_462 = arith.index_cast %squeeze3A_420 : i32 to index
        %get3A_463 = arith.constant 96 : index
        %get3A_464 = tpu.vector_load %arg11[%get3A_462, %get3A_463] {strides = array<i32>} : memref<328x128xbf16, #tpu.memory_space<vmem>>, vector<32xbf16>,
        %max3A_465 = arith.maximumf %get3A_464, %bitcast3A_461 : vector<32xbf16>
        %swap3A_466 = arith.index_cast %squeeze3A_420 : i32 to index
        %swap3A_467 = arith.constant 96 : index
        %swap3A_468 = tpu.vector_load %arg11[%swap3A_466, %swap3A_467] {strides = array<i32>} : memref<328x128xbf16, #tpu.memory_space<vmem>>, vector<32xbf16>,
        tpu.vector_store %arg11[%swap3A_466, %swap3A_467], %max3A_465 {strides = array<i32>} : memref<328x128xbf16, #tpu.memory_space<vmem>>, vector<32xbf16>,
        %slice3A_469 = vector.extract_strided_slice %get3A_70 {offsets = [8], sizes = [1], strides = [1]} : vector<16xi32> to vector<1xi32>
        %squeeze3A_470 = vector.extract %slice3A_469[0] : i32 from vector<1xi32>
        %get3A_471 = arith.constant 8 : i32
        %get3A_472 = arith.index_cast %get3A_471 : i32 to index
        %get3A_473 = arith.constant 0 : index
        %get3A_474 = tpu.vector_load %arg10[%get3A_472, %get3A_473] {strides = array<i32>} : memref<16x64xi32, #tpu.memory_space<vmem>>, vector<16xi32>,
        %bitcast3A_475 = vector.bitcast %get3A_474 : vector<16xi32> to vector<32xbf16>
        %get3A_476 = arith.index_cast %squeeze3A_470 : i32 to index
        %get3A_477 = arith.constant 0 : index
        %get3A_478 = tpu.vector_load %arg11[%get3A_476, %get3A_477] {strides = array<i32>} : memref<328x128xbf16, #tpu.memory_space<vmem>>, vector<32xbf16>,
        %max3A_479 = arith.maximumf %get3A_478, %bitcast3A_475 : vector<32xbf16>
        %swap3A_480 = arith.index_cast %squeeze3A_470 : i32 to index
        %swap3A_481 = arith.constant 0 : index
        %swap3A_482 = tpu.vector_load %arg11[%swap3A_480, %swap3A_481] {strides = array<i32>} : memref<328x128xbf16, #tpu.memory_space<vmem>>, vector<32xbf16>,
        tpu.vector_store %arg11[%swap3A_480, %swap3A_481], %max3A_479 {strides = array<i32>} : memref<328x128xbf16, #tpu.memory_space<vmem>>, vector<32xbf16>,
        %get3A_483 = arith.constant 8 : i32
        %get3A_484 = arith.index_cast %get3A_483 : i32 to index
        %get3A_485 = arith.constant 16 : index
        %get3A_486 = tpu.vector_load %arg10[%get3A_484, %get3A_485] {strides = array<i32>} : memref<16x64xi32, #tpu.memory_space<vmem>>, vector<16xi32>,
        %bitcast3A_487 = vector.bitcast %get3A_486 : vector<16xi32> to vector<32xbf16>
        %get3A_488 = arith.index_cast %squeeze3A_470 : i32 to index
        %get3A_489 = arith.constant 32 : index
        %get3A_490 = tpu.vector_load %arg11[%get3A_488, %get3A_489] {strides = array<i32>} : memref<328x128xbf16, #tpu.memory_space<vmem>>, vector<32xbf16>,
        %max3A_491 = arith.maximumf %get3A_490, %bitcast3A_487 : vector<32xbf16>
        %swap3A_492 = arith.index_cast %squeeze3A_470 : i32 to index
        %swap3A_493 = arith.constant 32 : index
        %swap3A_494 = tpu.vector_load %arg11[%swap3A_492, %swap3A_493] {strides = array<i32>} : memref<328x128xbf16, #tpu.memory_space<vmem>>, vector<32xbf16>,
        tpu.vector_store %arg11[%swap3A_492, %swap3A_493], %max3A_491 {strides = array<i32>} : memref<328x128xbf16, #tpu.memory_space<vmem>>, vector<32xbf16>,
        %get3A_495 = arith.constant 8 : i32
        %get3A_496 = arith.index_cast %get3A_495 : i32 to index
        %get3A_497 = arith.constant 32 : index
        %get3A_498 = tpu.vector_load %arg10[%get3A_496, %get3A_497] {strides = array<i32>} : memref<16x64xi32, #tpu.memory_space<vmem>>, vector<16xi32>,
        %bitcast3A_499 = vector.bitcast %get3A_498 : vector<16xi32> to vector<32xbf16>
        %get3A_500 = arith.index_cast %squeeze3A_470 : i32 to index
        %get3A_501 = arith.constant 64 : index
        %get3A_502 = tpu.vector_load %arg11[%get3A_500, %get3A_501] {strides = array<i32>} : memref<328x128xbf16, #tpu.memory_space<vmem>>, vector<32xbf16>,
        %max3A_503 = arith.maximumf %get3A_502, %bitcast3A_499 : vector<32xbf16>
        %swap3A_504 = arith.index_cast %squeeze3A_470 : i32 to index
        %swap3A_505 = arith.constant 64 : index
        %swap3A_506 = tpu.vector_load %arg11[%swap3A_504, %swap3A_505] {strides = array<i32>} : memref<328x128xbf16, #tpu.memory_space<vmem>>, vector<32xbf16>,
        tpu.vector_store %arg11[%swap3A_504, %swap3A_505], %max3A_503 {strides = array<i32>} : memref<328x128xbf16, #tpu.memory_space<vmem>>, vector<32xbf16>,
        %get3A_507 = arith.constant 8 : i32
        %get3A_508 = arith.index_cast %get3A_507 : i32 to index
        %get3A_509 = arith.constant 48 : index
        %get3A_510 = tpu.vector_load %arg10[%get3A_508, %get3A_509] {strides = array<i32>} : memref<16x64xi32, #tpu.memory_space<vmem>>, vector<16xi32>,
        %bitcast3A_511 = vector.bitcast %get3A_510 : vector<16xi32> to vector<32xbf16>
        %get3A_512 = arith.index_cast %squeeze3A_470 : i32 to index
        %get3A_513 = arith.constant 96 : index
        %get3A_514 = tpu.vector_load %arg11[%get3A_512, %get3A_513] {strides = array<i32>} : memref<328x128xbf16, #tpu.memory_space<vmem>>, vector<32xbf16>,
        %max3A_515 = arith.maximumf %get3A_514, %bitcast3A_511 : vector<32xbf16>
        %swap3A_516 = arith.index_cast %squeeze3A_470 : i32 to index
        %swap3A_517 = arith.constant 96 : index
        %swap3A_518 = tpu.vector_load %arg11[%swap3A_516, %swap3A_517] {strides = array<i32>} : memref<328x128xbf16, #tpu.memory_space<vmem>>, vector<32xbf16>,
        tpu.vector_store %arg11[%swap3A_516, %swap3A_517], %max3A_515 {strides = array<i32>} : memref<328x128xbf16, #tpu.memory_space<vmem>>, vector<32xbf16>,
        %slice3A_519 = vector.extract_strided_slice %get3A_70 {offsets = [9], sizes = [1], strides = [1]} : vector<16xi32> to vector<1xi32>
        %squeeze3A_520 = vector.extract %slice3A_519[0] : i32 from vector<1xi32>
        %get3A_521 = arith.constant 9 : i32
        %get3A_522 = arith.index_cast %get3A_521 : i32 to index
        %get3A_523 = arith.constant 0 : index
        %get3A_524 = tpu.vector_load %arg10[%get3A_522, %get3A_523] {strides = array<i32>} : memref<16x64xi32, #tpu.memory_space<vmem>>, vector<16xi32>,
        %bitcast3A_525 = vector.bitcast %get3A_524 : vector<16xi32> to vector<32xbf16>
        %get3A_526 = arith.index_cast %squeeze3A_520 : i32 to index
        %get3A_527 = arith.constant 0 : index
        %get3A_528 = tpu.vector_load %arg11[%get3A_526, %get3A_527] {strides = array<i32>} : memref<328x128xbf16, #tpu.memory_space<vmem>>, vector<32xbf16>,
        %max3A_529 = arith.maximumf %get3A_528, %bitcast3A_525 : vector<32xbf16>
        %swap3A_530 = arith.index_cast %squeeze3A_520 : i32 to index
        %swap3A_531 = arith.constant 0 : index
        %swap3A_532 = tpu.vector_load %arg11[%swap3A_530, %swap3A_531] {strides = array<i32>} : memref<328x128xbf16, #tpu.memory_space<vmem>>, vector<32xbf16>,
        tpu.vector_store %arg11[%swap3A_530, %swap3A_531], %max3A_529 {strides = array<i32>} : memref<328x128xbf16, #tpu.memory_space<vmem>>, vector<32xbf16>,
        %get3A_533 = arith.constant 9 : i32
        %get3A_534 = arith.index_cast %get3A_533 : i32 to index
        %get3A_535 = arith.constant 16 : index
        %get3A_536 = tpu.vector_load %arg10[%get3A_534, %get3A_535] {strides = array<i32>} : memref<16x64xi32, #tpu.memory_space<vmem>>, vector<16xi32>,
        %bitcast3A_537 = vector.bitcast %get3A_536 : vector<16xi32> to vector<32xbf16>
        %get3A_538 = arith.index_cast %squeeze3A_520 : i32 to index
        %get3A_539 = arith.constant 32 : index
        %get3A_540 = tpu.vector_load %arg11[%get3A_538, %get3A_539] {strides = array<i32>} : memref<328x128xbf16, #tpu.memory_space<vmem>>, vector<32xbf16>,
        %max3A_541 = arith.maximumf %get3A_540, %bitcast3A_537 : vector<32xbf16>
        %swap3A_542 = arith.index_cast %squeeze3A_520 : i32 to index
        %swap3A_543 = arith.constant 32 : index
        %swap3A_544 = tpu.vector_load %arg11[%swap3A_542, %swap3A_543] {strides = array<i32>} : memref<328x128xbf16, #tpu.memory_space<vmem>>, vector<32xbf16>,
        tpu.vector_store %arg11[%swap3A_542, %swap3A_543], %max3A_541 {strides = array<i32>} : memref<328x128xbf16, #tpu.memory_space<vmem>>, vector<32xbf16>,
        %get3A_545 = arith.constant 9 : i32
        %get3A_546 = arith.index_cast %get3A_545 : i32 to index
        %get3A_547 = arith.constant 32 : index
        %get3A_548 = tpu.vector_load %arg10[%get3A_546, %get3A_547] {strides = array<i32>} : memref<16x64xi32, #tpu.memory_space<vmem>>, vector<16xi32>,
        %bitcast3A_549 = vector.bitcast %get3A_548 : vector<16xi32> to vector<32xbf16>
        %get3A_550 = arith.index_cast %squeeze3A_520 : i32 to index
        %get3A_551 = arith.constant 64 : index
        %get3A_552 = tpu.vector_load %arg11[%get3A_550, %get3A_551] {strides = array<i32>} : memref<328x128xbf16, #tpu.memory_space<vmem>>, vector<32xbf16>,
        %max3A_553 = arith.maximumf %get3A_552, %bitcast3A_549 : vector<32xbf16>
        %swap3A_554 = arith.index_cast %squeeze3A_520 : i32 to index
        %swap3A_555 = arith.constant 64 : index
        %swap3A_556 = tpu.vector_load %arg11[%swap3A_554, %swap3A_555] {strides = array<i32>} : memref<328x128xbf16, #tpu.memory_space<vmem>>, vector<32xbf16>,
        tpu.vector_store %arg11[%swap3A_554, %swap3A_555], %max3A_553 {strides = array<i32>} : memref<328x128xbf16, #tpu.memory_space<vmem>>, vector<32xbf16>,
        %get3A_557 = arith.constant 9 : i32
        %get3A_558 = arith.index_cast %get3A_557 : i32 to index
        %get3A_559 = arith.constant 48 : index
        %get3A_560 = tpu.vector_load %arg10[%get3A_558, %get3A_559] {strides = array<i32>} : memref<16x64xi32, #tpu.memory_space<vmem>>, vector<16xi32>,
        %bitcast3A_561 = vector.bitcast %get3A_560 : vector<16xi32> to vector<32xbf16>
        %get3A_562 = arith.index_cast %squeeze3A_520 : i32 to index
        %get3A_563 = arith.constant 96 : index
        %get3A_564 = tpu.vector_load %arg11[%get3A_562, %get3A_563] {strides = array<i32>} : memref<328x128xbf16, #tpu.memory_space<vmem>>, vector<32xbf16>,
        %max3A_565 = arith.maximumf %get3A_564, %bitcast3A_561 : vector<32xbf16>
        %swap3A_566 = arith.index_cast %squeeze3A_520 : i32 to index
        %swap3A_567 = arith.constant 96 : index
        %swap3A_568 = tpu.vector_load %arg11[%swap3A_566, %swap3A_567] {strides = array<i32>} : memref<328x128xbf16, #tpu.memory_space<vmem>>, vector<32xbf16>,
        tpu.vector_store %arg11[%swap3A_566, %swap3A_567], %max3A_565 {strides = array<i32>} : memref<328x128xbf16, #tpu.memory_space<vmem>>, vector<32xbf16>,
        %slice3A_569 = vector.extract_strided_slice %get3A_70 {offsets = [10], sizes = [1], strides = [1]} : vector<16xi32> to vector<1xi32>
        %squeeze3A_570 = vector.extract %slice3A_569[0] : i32 from vector<1xi32>
        %get3A_571 = arith.constant 10 : i32
        %get3A_572 = arith.index_cast %get3A_571 : i32 to index
        %get3A_573 = arith.constant 0 : index
        %get3A_574 = tpu.vector_load %arg10[%get3A_572, %get3A_573] {strides = array<i32>} : memref<16x64xi32, #tpu.memory_space<vmem>>, vector<16xi32>,
        %bitcast3A_575 = vector.bitcast %get3A_574 : vector<16xi32> to vector<32xbf16>
        %get3A_576 = arith.index_cast %squeeze3A_570 : i32 to index
        %get3A_577 = arith.constant 0 : index
        %get3A_578 = tpu.vector_load %arg11[%get3A_576, %get3A_577] {strides = array<i32>} : memref<328x128xbf16, #tpu.memory_space<vmem>>, vector<32xbf16>,
        %max3A_579 = arith.maximumf %get3A_578, %bitcast3A_575 : vector<32xbf16>
        %swap3A_580 = arith.index_cast %squeeze3A_570 : i32 to index
        %swap3A_581 = arith.constant 0 : index
        %swap3A_582 = tpu.vector_load %arg11[%swap3A_580, %swap3A_581] {strides = array<i32>} : memref<328x128xbf16, #tpu.memory_space<vmem>>, vector<32xbf16>,
        tpu.vector_store %arg11[%swap3A_580, %swap3A_581], %max3A_579 {strides = array<i32>} : memref<328x128xbf16, #tpu.memory_space<vmem>>, vector<32xbf16>,
        %get3A_583 = arith.constant 10 : i32
        %get3A_584 = arith.index_cast %get3A_583 : i32 to index
        %get3A_585 = arith.constant 16 : index
        %get3A_586 = tpu.vector_load %arg10[%get3A_584, %get3A_585] {strides = array<i32>} : memref<16x64xi32, #tpu.memory_space<vmem>>, vector<16xi32>,
        %bitcast3A_587 = vector.bitcast %get3A_586 : vector<16xi32> to vector<32xbf16>
        %get3A_588 = arith.index_cast %squeeze3A_570 : i32 to index
        %get3A_589 = arith.constant 32 : index
        %get3A_590 = tpu.vector_load %arg11[%get3A_588, %get3A_589] {strides = array<i32>} : memref<328x128xbf16, #tpu.memory_space<vmem>>, vector<32xbf16>,
        %max3A_591 = arith.maximumf %get3A_590, %bitcast3A_587 : vector<32xbf16>
        %swap3A_592 = arith.index_cast %squeeze3A_570 : i32 to index
        %swap3A_593 = arith.constant 32 : index
        %swap3A_594 = tpu.vector_load %arg11[%swap3A_592, %swap3A_593] {strides = array<i32>} : memref<328x128xbf16, #tpu.memory_space<vmem>>, vector<32xbf16>,
        tpu.vector_store %arg11[%swap3A_592, %swap3A_593], %max3A_591 {strides = array<i32>} : memref<328x128xbf16, #tpu.memory_space<vmem>>, vector<32xbf16>,
        %get3A_595 = arith.constant 10 : i32
        %get3A_596 = arith.index_cast %get3A_595 : i32 to index
        %get3A_597 = arith.constant 32 : index
        %get3A_598 = tpu.vector_load %arg10[%get3A_596, %get3A_597] {strides = array<i32>} : memref<16x64xi32, #tpu.memory_space<vmem>>, vector<16xi32>,
        %bitcast3A_599 = vector.bitcast %get3A_598 : vector<16xi32> to vector<32xbf16>
        %get3A_600 = arith.index_cast %squeeze3A_570 : i32 to index
        %get3A_601 = arith.constant 64 : index
        %get3A_602 = tpu.vector_load %arg11[%get3A_600, %get3A_601] {strides = array<i32>} : memref<328x128xbf16, #tpu.memory_space<vmem>>, vector<32xbf16>,
        %max3A_603 = arith.maximumf %get3A_602, %bitcast3A_599 : vector<32xbf16>
        %swap3A_604 = arith.index_cast %squeeze3A_570 : i32 to index
        %swap3A_605 = arith.constant 64 : index
        %swap3A_606 = tpu.vector_load %arg11[%swap3A_604, %swap3A_605] {strides = array<i32>} : memref<328x128xbf16, #tpu.memory_space<vmem>>, vector<32xbf16>,
        tpu.vector_store %arg11[%swap3A_604, %swap3A_605], %max3A_603 {strides = array<i32>} : memref<328x128xbf16, #tpu.memory_space<vmem>>, vector<32xbf16>,
        %get3A_607 = arith.constant 10 : i32
        %get3A_608 = arith.index_cast %get3A_607 : i32 to index
        %get3A_609 = arith.constant 48 : index
        %get3A_610 = tpu.vector_load %arg10[%get3A_608, %get3A_609] {strides = array<i32>} : memref<16x64xi32, #tpu.memory_space<vmem>>, vector<16xi32>,
        %bitcast3A_611 = vector.bitcast %get3A_610 : vector<16xi32> to vector<32xbf16>
        %get3A_612 = arith.index_cast %squeeze3A_570 : i32 to index
        %get3A_613 = arith.constant 96 : index
        %get3A_614 = tpu.vector_load %arg11[%get3A_612, %get3A_613] {strides = array<i32>} : memref<328x128xbf16, #tpu.memory_space<vmem>>, vector<32xbf16>,
        %max3A_615 = arith.maximumf %get3A_614, %bitcast3A_611 : vector<32xbf16>
        %swap3A_616 = arith.index_cast %squeeze3A_570 : i32 to index
        %swap3A_617 = arith.constant 96 : index
        %swap3A_618 = tpu.vector_load %arg11[%swap3A_616, %swap3A_617] {strides = array<i32>} : memref<328x128xbf16, #tpu.memory_space<vmem>>, vector<32xbf16>,
        tpu.vector_store %arg11[%swap3A_616, %swap3A_617], %max3A_615 {strides = array<i32>} : memref<328x128xbf16, #tpu.memory_space<vmem>>, vector<32xbf16>,
        %slice3A_619 = vector.extract_strided_slice %get3A_70 {offsets = [11], sizes = [1], strides = [1]} : vector<16xi32> to vector<1xi32>
        %squeeze3A_620 = vector.extract %slice3A_619[0] : i32 from vector<1xi32>
        %get3A_621 = arith.constant 11 : i32
        %get3A_622 = arith.index_cast %get3A_621 : i32 to index
        %get3A_623 = arith.constant 0 : index
        %get3A_624 = tpu.vector_load %arg10[%get3A_622, %get3A_623] {strides = array<i32>} : memref<16x64xi32, #tpu.memory_space<vmem>>, vector<16xi32>,
        %bitcast3A_625 = vector.bitcast %get3A_624 : vector<16xi32> to vector<32xbf16>
        %get3A_626 = arith.index_cast %squeeze3A_620 : i32 to index
        %get3A_627 = arith.constant 0 : index
        %get3A_628 = tpu.vector_load %arg11[%get3A_626, %get3A_627] {strides = array<i32>} : memref<328x128xbf16, #tpu.memory_space<vmem>>, vector<32xbf16>,
        %max3A_629 = arith.maximumf %get3A_628, %bitcast3A_625 : vector<32xbf16>
        %swap3A_630 = arith.index_cast %squeeze3A_620 : i32 to index
        %swap3A_631 = arith.constant 0 : index
        %swap3A_632 = tpu.vector_load %arg11[%swap3A_630, %swap3A_631] {strides = array<i32>} : memref<328x128xbf16, #tpu.memory_space<vmem>>, vector<32xbf16>,
        tpu.vector_store %arg11[%swap3A_630, %swap3A_631], %max3A_629 {strides = array<i32>} : memref<328x128xbf16, #tpu.memory_space<vmem>>, vector<32xbf16>,
        %get3A_633 = arith.constant 11 : i32
        %get3A_634 = arith.index_cast %get3A_633 : i32 to index
        %get3A_635 = arith.constant 16 : index
        %get3A_636 = tpu.vector_load %arg10[%get3A_634, %get3A_635] {strides = array<i32>} : memref<16x64xi32, #tpu.memory_space<vmem>>, vector<16xi32>,
        %bitcast3A_637 = vector.bitcast %get3A_636 : vector<16xi32> to vector<32xbf16>
        %get3A_638 = arith.index_cast %squeeze3A_620 : i32 to index
        %get3A_639 = arith.constant 32 : index
        %get3A_640 = tpu.vector_load %arg11[%get3A_638, %get3A_639] {strides = array<i32>} : memref<328x128xbf16, #tpu.memory_space<vmem>>, vector<32xbf16>,
        %max3A_641 = arith.maximumf %get3A_640, %bitcast3A_637 : vector<32xbf16>
        %swap3A_642 = arith.index_cast %squeeze3A_620 : i32 to index
        %swap3A_643 = arith.constant 32 : index
        %swap3A_644 = tpu.vector_load %arg11[%swap3A_642, %swap3A_643] {strides = array<i32>} : memref<328x128xbf16, #tpu.memory_space<vmem>>, vector<32xbf16>,
        tpu.vector_store %arg11[%swap3A_642, %swap3A_643], %max3A_641 {strides = array<i32>} : memref<328x128xbf16, #tpu.memory_space<vmem>>, vector<32xbf16>,
        %get3A_645 = arith.constant 11 : i32
        %get3A_646 = arith.index_cast %get3A_645 : i32 to index
        %get3A_647 = arith.constant 32 : index
        %get3A_648 = tpu.vector_load %arg10[%get3A_646, %get3A_647] {strides = array<i32>} : memref<16x64xi32, #tpu.memory_space<vmem>>, vector<16xi32>,
        %bitcast3A_649 = vector.bitcast %get3A_648 : vector<16xi32> to vector<32xbf16>
        %get3A_650 = arith.index_cast %squeeze3A_620 : i32 to index
        %get3A_651 = arith.constant 64 : index
        %get3A_652 = tpu.vector_load %arg11[%get3A_650, %get3A_651] {strides = array<i32>} : memref<328x128xbf16, #tpu.memory_space<vmem>>, vector<32xbf16>,
        %max3A_653 = arith.maximumf %get3A_652, %bitcast3A_649 : vector<32xbf16>
        %swap3A_654 = arith.index_cast %squeeze3A_620 : i32 to index
        %swap3A_655 = arith.constant 64 : index
        %swap3A_656 = tpu.vector_load %arg11[%swap3A_654, %swap3A_655] {strides = array<i32>} : memref<328x128xbf16, #tpu.memory_space<vmem>>, vector<32xbf16>,
        tpu.vector_store %arg11[%swap3A_654, %swap3A_655], %max3A_653 {strides = array<i32>} : memref<328x128xbf16, #tpu.memory_space<vmem>>, vector<32xbf16>,
        %get3A_657 = arith.constant 11 : i32
        %get3A_658 = arith.index_cast %get3A_657 : i32 to index
        %get3A_659 = arith.constant 48 : index
        %get3A_660 = tpu.vector_load %arg10[%get3A_658, %get3A_659] {strides = array<i32>} : memref<16x64xi32, #tpu.memory_space<vmem>>, vector<16xi32>,
        %bitcast3A_661 = vector.bitcast %get3A_660 : vector<16xi32> to vector<32xbf16>
        %get3A_662 = arith.index_cast %squeeze3A_620 : i32 to index
        %get3A_663 = arith.constant 96 : index
        %get3A_664 = tpu.vector_load %arg11[%get3A_662, %get3A_663] {strides = array<i32>} : memref<328x128xbf16, #tpu.memory_space<vmem>>, vector<32xbf16>,
        %max3A_665 = arith.maximumf %get3A_664, %bitcast3A_661 : vector<32xbf16>
        %swap3A_666 = arith.index_cast %squeeze3A_620 : i32 to index
        %swap3A_667 = arith.constant 96 : index
        %swap3A_668 = tpu.vector_load %arg11[%swap3A_666, %swap3A_667] {strides = array<i32>} : memref<328x128xbf16, #tpu.memory_space<vmem>>, vector<32xbf16>,
        tpu.vector_store %arg11[%swap3A_666, %swap3A_667], %max3A_665 {strides = array<i32>} : memref<328x128xbf16, #tpu.memory_space<vmem>>, vector<32xbf16>,
        %slice3A_669 = vector.extract_strided_slice %get3A_70 {offsets = [12], sizes = [1], strides = [1]} : vector<16xi32> to vector<1xi32>
        %squeeze3A_670 = vector.extract %slice3A_669[0] : i32 from vector<1xi32>
        %get3A_671 = arith.constant 12 : i32
        %get3A_672 = arith.index_cast %get3A_671 : i32 to index
        %get3A_673 = arith.constant 0 : index
        %get3A_674 = tpu.vector_load %arg10[%get3A_672, %get3A_673] {strides = array<i32>} : memref<16x64xi32, #tpu.memory_space<vmem>>, vector<16xi32>,
        %bitcast3A_675 = vector.bitcast %get3A_674 : vector<16xi32> to vector<32xbf16>
        %get3A_676 = arith.index_cast %squeeze3A_670 : i32 to index
        %get3A_677 = arith.constant 0 : index
        %get3A_678 = tpu.vector_load %arg11[%get3A_676, %get3A_677] {strides = array<i32>} : memref<328x128xbf16, #tpu.memory_space<vmem>>, vector<32xbf16>,
        %max3A_679 = arith.maximumf %get3A_678, %bitcast3A_675 : vector<32xbf16>
        %swap3A_680 = arith.index_cast %squeeze3A_670 : i32 to index
        %swap3A_681 = arith.constant 0 : index
        %swap3A_682 = tpu.vector_load %arg11[%swap3A_680, %swap3A_681] {strides = array<i32>} : memref<328x128xbf16, #tpu.memory_space<vmem>>, vector<32xbf16>,
        tpu.vector_store %arg11[%swap3A_680, %swap3A_681], %max3A_679 {strides = array<i32>} : memref<328x128xbf16, #tpu.memory_space<vmem>>, vector<32xbf16>,
        %get3A_683 = arith.constant 12 : i32
        %get3A_684 = arith.index_cast %get3A_683 : i32 to index
        %get3A_685 = arith.constant 16 : index
        %get3A_686 = tpu.vector_load %arg10[%get3A_684, %get3A_685] {strides = array<i32>} : memref<16x64xi32, #tpu.memory_space<vmem>>, vector<16xi32>,
        %bitcast3A_687 = vector.bitcast %get3A_686 : vector<16xi32> to vector<32xbf16>
        %get3A_688 = arith.index_cast %squeeze3A_670 : i32 to index
        %get3A_689 = arith.constant 32 : index
        %get3A_690 = tpu.vector_load %arg11[%get3A_688, %get3A_689] {strides = array<i32>} : memref<328x128xbf16, #tpu.memory_space<vmem>>, vector<32xbf16>,
        %max3A_691 = arith.maximumf %get3A_690, %bitcast3A_687 : vector<32xbf16>
        %swap3A_692 = arith.index_cast %squeeze3A_670 : i32 to index
        %swap3A_693 = arith.constant 32 : index
        %swap3A_694 = tpu.vector_load %arg11[%swap3A_692, %swap3A_693] {strides = array<i32>} : memref<328x128xbf16, #tpu.memory_space<vmem>>, vector<32xbf16>,
        tpu.vector_store %arg11[%swap3A_692, %swap3A_693], %max3A_691 {strides = array<i32>} : memref<328x128xbf16, #tpu.memory_space<vmem>>, vector<32xbf16>,
        %get3A_695 = arith.constant 12 : i32
        %get3A_696 = arith.index_cast %get3A_695 : i32 to index
        %get3A_697 = arith.constant 32 : index
        %get3A_698 = tpu.vector_load %arg10[%get3A_696, %get3A_697] {strides = array<i32>} : memref<16x64xi32, #tpu.memory_space<vmem>>, vector<16xi32>,
        %bitcast3A_699 = vector.bitcast %get3A_698 : vector<16xi32> to vector<32xbf16>
        %get3A_700 = arith.index_cast %squeeze3A_670 : i32 to index
        %get3A_701 = arith.constant 64 : index
        %get3A_702 = tpu.vector_load %arg11[%get3A_700, %get3A_701] {strides = array<i32>} : memref<328x128xbf16, #tpu.memory_space<vmem>>, vector<32xbf16>,
        %max3A_703 = arith.maximumf %get3A_702, %bitcast3A_699 : vector<32xbf16>
        %swap3A_704 = arith.index_cast %squeeze3A_670 : i32 to index
        %swap3A_705 = arith.constant 64 : index
        %swap3A_706 = tpu.vector_load %arg11[%swap3A_704, %swap3A_705] {strides = array<i32>} : memref<328x128xbf16, #tpu.memory_space<vmem>>, vector<32xbf16>,
        tpu.vector_store %arg11[%swap3A_704, %swap3A_705], %max3A_703 {strides = array<i32>} : memref<328x128xbf16, #tpu.memory_space<vmem>>, vector<32xbf16>,
        %get3A_707 = arith.constant 12 : i32
        %get3A_708 = arith.index_cast %get3A_707 : i32 to index
        %get3A_709 = arith.constant 48 : index
        %get3A_710 = tpu.vector_load %arg10[%get3A_708, %get3A_709] {strides = array<i32>} : memref<16x64xi32, #tpu.memory_space<vmem>>, vector<16xi32>,
        %bitcast3A_711 = vector.bitcast %get3A_710 : vector<16xi32> to vector<32xbf16>
        %get3A_712 = arith.index_cast %squeeze3A_670 : i32 to index
        %get3A_713 = arith.constant 96 : index
        %get3A_714 = tpu.vector_load %arg11[%get3A_712, %get3A_713] {strides = array<i32>} : memref<328x128xbf16, #tpu.memory_space<vmem>>, vector<32xbf16>,
        %max3A_715 = arith.maximumf %get3A_714, %bitcast3A_711 : vector<32xbf16>
        %swap3A_716 = arith.index_cast %squeeze3A_670 : i32 to index
        %swap3A_717 = arith.constant 96 : index
        %swap3A_718 = tpu.vector_load %arg11[%swap3A_716, %swap3A_717] {strides = array<i32>} : memref<328x128xbf16, #tpu.memory_space<vmem>>, vector<32xbf16>,
        tpu.vector_store %arg11[%swap3A_716, %swap3A_717], %max3A_715 {strides = array<i32>} : memref<328x128xbf16, #tpu.memory_space<vmem>>, vector<32xbf16>,
        %slice3A_719 = vector.extract_strided_slice %get3A_70 {offsets = [13], sizes = [1], strides = [1]} : vector<16xi32> to vector<1xi32>
        %squeeze3A_720 = vector.extract %slice3A_719[0] : i32 from vector<1xi32>
        %get3A_721 = arith.constant 13 : i32
        %get3A_722 = arith.index_cast %get3A_721 : i32 to index
        %get3A_723 = arith.constant 0 : index
        %get3A_724 = tpu.vector_load %arg10[%get3A_722, %get3A_723] {strides = array<i32>} : memref<16x64xi32, #tpu.memory_space<vmem>>, vector<16xi32>,
        %bitcast3A_725 = vector.bitcast %get3A_724 : vector<16xi32> to vector<32xbf16>
        %get3A_726 = arith.index_cast %squeeze3A_720 : i32 to index
        %get3A_727 = arith.constant 0 : index
        %get3A_728 = tpu.vector_load %arg11[%get3A_726, %get3A_727] {strides = array<i32>} : memref<328x128xbf16, #tpu.memory_space<vmem>>, vector<32xbf16>,
        %max3A_729 = arith.maximumf %get3A_728, %bitcast3A_725 : vector<32xbf16>
        %swap3A_730 = arith.index_cast %squeeze3A_720 : i32 to index
        %swap3A_731 = arith.constant 0 : index
        %swap3A_732 = tpu.vector_load %arg11[%swap3A_730, %swap3A_731] {strides = array<i32>} : memref<328x128xbf16, #tpu.memory_space<vmem>>, vector<32xbf16>,
        tpu.vector_store %arg11[%swap3A_730, %swap3A_731], %max3A_729 {strides = array<i32>} : memref<328x128xbf16, #tpu.memory_space<vmem>>, vector<32xbf16>,
        %get3A_733 = arith.constant 13 : i32
        %get3A_734 = arith.index_cast %get3A_733 : i32 to index
        %get3A_735 = arith.constant 16 : index
        %get3A_736 = tpu.vector_load %arg10[%get3A_734, %get3A_735] {strides = array<i32>} : memref<16x64xi32, #tpu.memory_space<vmem>>, vector<16xi32>,
        %bitcast3A_737 = vector.bitcast %get3A_736 : vector<16xi32> to vector<32xbf16>
        %get3A_738 = arith.index_cast %squeeze3A_720 : i32 to index
        %get3A_739 = arith.constant 32 : index
        %get3A_740 = tpu.vector_load %arg11[%get3A_738, %get3A_739] {strides = array<i32>} : memref<328x128xbf16, #tpu.memory_space<vmem>>, vector<32xbf16>,
        %max3A_741 = arith.maximumf %get3A_740, %bitcast3A_737 : vector<32xbf16>
        %swap3A_742 = arith.index_cast %squeeze3A_720 : i32 to index
        %swap3A_743 = arith.constant 32 : index
        %swap3A_744 = tpu.vector_load %arg11[%swap3A_742, %swap3A_743] {strides = array<i32>} : memref<328x128xbf16, #tpu.memory_space<vmem>>, vector<32xbf16>,
        tpu.vector_store %arg11[%swap3A_742, %swap3A_743], %max3A_741 {strides = array<i32>} : memref<328x128xbf16, #tpu.memory_space<vmem>>, vector<32xbf16>,
        %get3A_745 = arith.constant 13 : i32
        %get3A_746 = arith.index_cast %get3A_745 : i32 to index
        %get3A_747 = arith.constant 32 : index
        %get3A_748 = tpu.vector_load %arg10[%get3A_746, %get3A_747] {strides = array<i32>} : memref<16x64xi32, #tpu.memory_space<vmem>>, vector<16xi32>,
        %bitcast3A_749 = vector.bitcast %get3A_748 : vector<16xi32> to vector<32xbf16>
        %get3A_750 = arith.index_cast %squeeze3A_720 : i32 to index
        %get3A_751 = arith.constant 64 : index
        %get3A_752 = tpu.vector_load %arg11[%get3A_750, %get3A_751] {strides = array<i32>} : memref<328x128xbf16, #tpu.memory_space<vmem>>, vector<32xbf16>,
        %max3A_753 = arith.maximumf %get3A_752, %bitcast3A_749 : vector<32xbf16>
        %swap3A_754 = arith.index_cast %squeeze3A_720 : i32 to index
        %swap3A_755 = arith.constant 64 : index
        %swap3A_756 = tpu.vector_load %arg11[%swap3A_754, %swap3A_755] {strides = array<i32>} : memref<328x128xbf16, #tpu.memory_space<vmem>>, vector<32xbf16>,
        tpu.vector_store %arg11[%swap3A_754, %swap3A_755], %max3A_753 {strides = array<i32>} : memref<328x128xbf16, #tpu.memory_space<vmem>>, vector<32xbf16>,
        %get3A_757 = arith.constant 13 : i32
        %get3A_758 = arith.index_cast %get3A_757 : i32 to index
        %get3A_759 = arith.constant 48 : index
        %get3A_760 = tpu.vector_load %arg10[%get3A_758, %get3A_759] {strides = array<i32>} : memref<16x64xi32, #tpu.memory_space<vmem>>, vector<16xi32>,
        %bitcast3A_761 = vector.bitcast %get3A_760 : vector<16xi32> to vector<32xbf16>
        %get3A_762 = arith.index_cast %squeeze3A_720 : i32 to index
        %get3A_763 = arith.constant 96 : index
        %get3A_764 = tpu.vector_load %arg11[%get3A_762, %get3A_763] {strides = array<i32>} : memref<328x128xbf16, #tpu.memory_space<vmem>>, vector<32xbf16>,
        %max3A_765 = arith.maximumf %get3A_764, %bitcast3A_761 : vector<32xbf16>
        %swap3A_766 = arith.index_cast %squeeze3A_720 : i32 to index
        %swap3A_767 = arith.constant 96 : index
        %swap3A_768 = tpu.vector_load %arg11[%swap3A_766, %swap3A_767] {strides = array<i32>} : memref<328x128xbf16, #tpu.memory_space<vmem>>, vector<32xbf16>,
        tpu.vector_store %arg11[%swap3A_766, %swap3A_767], %max3A_765 {strides = array<i32>} : memref<328x128xbf16, #tpu.memory_space<vmem>>, vector<32xbf16>,
        %slice3A_769 = vector.extract_strided_slice %get3A_70 {offsets = [14], sizes = [1], strides = [1]} : vector<16xi32> to vector<1xi32>
        %squeeze3A_770 = vector.extract %slice3A_769[0] : i32 from vector<1xi32>
        %get3A_771 = arith.constant 14 : i32
        %get3A_772 = arith.index_cast %get3A_771 : i32 to index
        %get3A_773 = arith.constant 0 : index
        %get3A_774 = tpu.vector_load %arg10[%get3A_772, %get3A_773] {strides = array<i32>} : memref<16x64xi32, #tpu.memory_space<vmem>>, vector<16xi32>,
        %bitcast3A_775 = vector.bitcast %get3A_774 : vector<16xi32> to vector<32xbf16>
        %get3A_776 = arith.index_cast %squeeze3A_770 : i32 to index
        %get3A_777 = arith.constant 0 : index
        %get3A_778 = tpu.vector_load %arg11[%get3A_776, %get3A_777] {strides = array<i32>} : memref<328x128xbf16, #tpu.memory_space<vmem>>, vector<32xbf16>,
        %max3A_779 = arith.maximumf %get3A_778, %bitcast3A_775 : vector<32xbf16>
        %swap3A_780 = arith.index_cast %squeeze3A_770 : i32 to index
        %swap3A_781 = arith.constant 0 : index
        %swap3A_782 = tpu.vector_load %arg11[%swap3A_780, %swap3A_781] {strides = array<i32>} : memref<328x128xbf16, #tpu.memory_space<vmem>>, vector<32xbf16>,
        tpu.vector_store %arg11[%swap3A_780, %swap3A_781], %max3A_779 {strides = array<i32>} : memref<328x128xbf16, #tpu.memory_space<vmem>>, vector<32xbf16>,
        %get3A_783 = arith.constant 14 : i32
        %get3A_784 = arith.index_cast %get3A_783 : i32 to index
        %get3A_785 = arith.constant 16 : index
        %get3A_786 = tpu.vector_load %arg10[%get3A_784, %get3A_785] {strides = array<i32>} : memref<16x64xi32, #tpu.memory_space<vmem>>, vector<16xi32>,
        %bitcast3A_787 = vector.bitcast %get3A_786 : vector<16xi32> to vector<32xbf16>
        %get3A_788 = arith.index_cast %squeeze3A_770 : i32 to index
        %get3A_789 = arith.constant 32 : index
        %get3A_790 = tpu.vector_load %arg11[%get3A_788, %get3A_789] {strides = array<i32>} : memref<328x128xbf16, #tpu.memory_space<vmem>>, vector<32xbf16>,
        %max3A_791 = arith.maximumf %get3A_790, %bitcast3A_787 : vector<32xbf16>
        %swap3A_792 = arith.index_cast %squeeze3A_770 : i32 to index
        %swap3A_793 = arith.constant 32 : index
        %swap3A_794 = tpu.vector_load %arg11[%swap3A_792, %swap3A_793] {strides = array<i32>} : memref<328x128xbf16, #tpu.memory_space<vmem>>, vector<32xbf16>,
        tpu.vector_store %arg11[%swap3A_792, %swap3A_793], %max3A_791 {strides = array<i32>} : memref<328x128xbf16, #tpu.memory_space<vmem>>, vector<32xbf16>,
        %get3A_795 = arith.constant 14 : i32
        %get3A_796 = arith.index_cast %get3A_795 : i32 to index
        %get3A_797 = arith.constant 32 : index
        %get3A_798 = tpu.vector_load %arg10[%get3A_796, %get3A_797] {strides = array<i32>} : memref<16x64xi32, #tpu.memory_space<vmem>>, vector<16xi32>,
        %bitcast3A_799 = vector.bitcast %get3A_798 : vector<16xi32> to vector<32xbf16>
        %get3A_800 = arith.index_cast %squeeze3A_770 : i32 to index
        %get3A_801 = arith.constant 64 : index
        %get3A_802 = tpu.vector_load %arg11[%get3A_800, %get3A_801] {strides = array<i32>} : memref<328x128xbf16, #tpu.memory_space<vmem>>, vector<32xbf16>,
        %max3A_803 = arith.maximumf %get3A_802, %bitcast3A_799 : vector<32xbf16>
        %swap3A_804 = arith.index_cast %squeeze3A_770 : i32 to index
        %swap3A_805 = arith.constant 64 : index
        %swap3A_806 = tpu.vector_load %arg11[%swap3A_804, %swap3A_805] {strides = array<i32>} : memref<328x128xbf16, #tpu.memory_space<vmem>>, vector<32xbf16>,
        tpu.vector_store %arg11[%swap3A_804, %swap3A_805], %max3A_803 {strides = array<i32>} : memref<328x128xbf16, #tpu.memory_space<vmem>>, vector<32xbf16>,
        %get3A_807 = arith.constant 14 : i32
        %get3A_808 = arith.index_cast %get3A_807 : i32 to index
        %get3A_809 = arith.constant 48 : index
        %get3A_810 = tpu.vector_load %arg10[%get3A_808, %get3A_809] {strides = array<i32>} : memref<16x64xi32, #tpu.memory_space<vmem>>, vector<16xi32>,
        %bitcast3A_811 = vector.bitcast %get3A_810 : vector<16xi32> to vector<32xbf16>
        %get3A_812 = arith.index_cast %squeeze3A_770 : i32 to index
        %get3A_813 = arith.constant 96 : index
        %get3A_814 = tpu.vector_load %arg11[%get3A_812, %get3A_813] {strides = array<i32>} : memref<328x128xbf16, #tpu.memory_space<vmem>>, vector<32xbf16>,
        %max3A_815 = arith.maximumf %get3A_814, %bitcast3A_811 : vector<32xbf16>
        %swap3A_816 = arith.index_cast %squeeze3A_770 : i32 to index
        %swap3A_817 = arith.constant 96 : index
        %swap3A_818 = tpu.vector_load %arg11[%swap3A_816, %swap3A_817] {strides = array<i32>} : memref<328x128xbf16, #tpu.memory_space<vmem>>, vector<32xbf16>,
        tpu.vector_store %arg11[%swap3A_816, %swap3A_817], %max3A_815 {strides = array<i32>} : memref<328x128xbf16, #tpu.memory_space<vmem>>, vector<32xbf16>,
        %slice3A_819 = vector.extract_strided_slice %get3A_70 {offsets = [15], sizes = [1], strides = [1]} : vector<16xi32> to vector<1xi32>
        %squeeze3A_820 = vector.extract %slice3A_819[0] : i32 from vector<1xi32>
        %get3A_821 = arith.constant 15 : i32
        %get3A_822 = arith.index_cast %get3A_821 : i32 to index
        %get3A_823 = arith.constant 0 : index
        %get3A_824 = tpu.vector_load %arg10[%get3A_822, %get3A_823] {strides = array<i32>} : memref<16x64xi32, #tpu.memory_space<vmem>>, vector<16xi32>,
        %bitcast3A_825 = vector.bitcast %get3A_824 : vector<16xi32> to vector<32xbf16>
        %get3A_826 = arith.index_cast %squeeze3A_820 : i32 to index
        %get3A_827 = arith.constant 0 : index
        %get3A_828 = tpu.vector_load %arg11[%get3A_826, %get3A_827] {strides = array<i32>} : memref<328x128xbf16, #tpu.memory_space<vmem>>, vector<32xbf16>,
        %max3A_829 = arith.maximumf %get3A_828, %bitcast3A_825 : vector<32xbf16>
        %swap3A_830 = arith.index_cast %squeeze3A_820 : i32 to index
        %swap3A_831 = arith.constant 0 : index
        %swap3A_832 = tpu.vector_load %arg11[%swap3A_830, %swap3A_831] {strides = array<i32>} : memref<328x128xbf16, #tpu.memory_space<vmem>>, vector<32xbf16>,
        tpu.vector_store %arg11[%swap3A_830, %swap3A_831], %max3A_829 {strides = array<i32>} : memref<328x128xbf16, #tpu.memory_space<vmem>>, vector<32xbf16>,
        %get3A_833 = arith.constant 15 : i32
        %get3A_834 = arith.index_cast %get3A_833 : i32 to index
        %get3A_835 = arith.constant 16 : index
        %get3A_836 = tpu.vector_load %arg10[%get3A_834, %get3A_835] {strides = array<i32>} : memref<16x64xi32, #tpu.memory_space<vmem>>, vector<16xi32>,
        %bitcast3A_837 = vector.bitcast %get3A_836 : vector<16xi32> to vector<32xbf16>
        %get3A_838 = arith.index_cast %squeeze3A_820 : i32 to index
        %get3A_839 = arith.constant 32 : index
        %get3A_840 = tpu.vector_load %arg11[%get3A_838, %get3A_839] {strides = array<i32>} : memref<328x128xbf16, #tpu.memory_space<vmem>>, vector<32xbf16>,
        %max3A_841 = arith.maximumf %get3A_840, %bitcast3A_837 : vector<32xbf16>
        %swap3A_842 = arith.index_cast %squeeze3A_820 : i32 to index
        %swap3A_843 = arith.constant 32 : index
        %swap3A_844 = tpu.vector_load %arg11[%swap3A_842, %swap3A_843] {strides = array<i32>} : memref<328x128xbf16, #tpu.memory_space<vmem>>, vector<32xbf16>,
        tpu.vector_store %arg11[%swap3A_842, %swap3A_843], %max3A_841 {strides = array<i32>} : memref<328x128xbf16, #tpu.memory_space<vmem>>, vector<32xbf16>,
        %get3A_845 = arith.constant 15 : i32
        %get3A_846 = arith.index_cast %get3A_845 : i32 to index
        %get3A_847 = arith.constant 32 : index
        %get3A_848 = tpu.vector_load %arg10[%get3A_846, %get3A_847] {strides = array<i32>} : memref<16x64xi32, #tpu.memory_space<vmem>>, vector<16xi32>,
        %bitcast3A_849 = vector.bitcast %get3A_848 : vector<16xi32> to vector<32xbf16>
        %get3A_850 = arith.index_cast %squeeze3A_820 : i32 to index
        %get3A_851 = arith.constant 64 : index
        %get3A_852 = tpu.vector_load %arg11[%get3A_850, %get3A_851] {strides = array<i32>} : memref<328x128xbf16, #tpu.memory_space<vmem>>, vector<32xbf16>,
        %max3A_853 = arith.maximumf %get3A_852, %bitcast3A_849 : vector<32xbf16>
        %swap3A_854 = arith.index_cast %squeeze3A_820 : i32 to index
        %swap3A_855 = arith.constant 64 : index
        %swap3A_856 = tpu.vector_load %arg11[%swap3A_854, %swap3A_855] {strides = array<i32>} : memref<328x128xbf16, #tpu.memory_space<vmem>>, vector<32xbf16>,
        tpu.vector_store %arg11[%swap3A_854, %swap3A_855], %max3A_853 {strides = array<i32>} : memref<328x128xbf16, #tpu.memory_space<vmem>>, vector<32xbf16>,
        %get3A_857 = arith.constant 15 : i32
        %get3A_858 = arith.index_cast %get3A_857 : i32 to index
        %get3A_859 = arith.constant 48 : index
        %get3A_860 = tpu.vector_load %arg10[%get3A_858, %get3A_859] {strides = array<i32>} : memref<16x64xi32, #tpu.memory_space<vmem>>, vector<16xi32>,
        %bitcast3A_861 = vector.bitcast %get3A_860 : vector<16xi32> to vector<32xbf16>
        %get3A_862 = arith.index_cast %squeeze3A_820 : i32 to index
        %get3A_863 = arith.constant 96 : index
        %get3A_864 = tpu.vector_load %arg11[%get3A_862, %get3A_863] {strides = array<i32>} : memref<328x128xbf16, #tpu.memory_space<vmem>>, vector<32xbf16>,
        %max3A_865 = arith.maximumf %get3A_864, %bitcast3A_861 : vector<32xbf16>
        %swap3A_866 = arith.index_cast %squeeze3A_820 : i32 to index
        %swap3A_867 = arith.constant 96 : index
        %swap3A_868 = tpu.vector_load %arg11[%swap3A_866, %swap3A_867] {strides = array<i32>} : memref<328x128xbf16, #tpu.memory_space<vmem>>, vector<32xbf16>,
        tpu.vector_store %arg11[%swap3A_866, %swap3A_867], %max3A_865 {strides = array<i32>} : memref<328x128xbf16, #tpu.memory_space<vmem>>, vector<32xbf16>,
      }
    }
    %scan3A_16 = arith.constant 20 : i32
    "tpu.region"() ({
      %run_scoped3A = tpu.sem_alloc : memref<!tpu.dma_semaphore, #tpu.memory_space<semaphore_mem>>
      %dma_start3A = arith.constant 0 : i32
      %dma_start3A_17 = arith.constant 0 : i32
      %dma_start3A_18 = tpu.memref_slice %arg11[%dma_start3A, %dma_start3A_17] : memref<328x128xbf16, #tpu.memory_space<vmem>> -> memref<320x128xbf16, #tpu.memory_space<vmem>>
      %dma_start3A_19 = arith.constant 0 : i32
      %dma_start3A_20 = tpu.memref_slice %arg5[%mul3A_2, %dma_start3A_19] : memref<10240x128xbf16, #tpu.memory_space<hbm>> -> memref<320x128xbf16, #tpu.memory_space<hbm>>
      %dma_start3A_21 = arith.constant 0 : i32
      %dma_start3A_22 = tpu.memref_slice %arg5[%mul3A_2, %dma_start3A_21] : memref<10240x128xbf16, #tpu.memory_space<hbm>> -> memref<320x128xbf16, #tpu.memory_space<hbm>>
      %dma_start3A_23 = arith.constant 0 : i32
      %dma_start3A_24 = arith.constant 0 : i32
      %dma_start3A_25 = tpu.memref_slice %arg11[%dma_start3A_23, %dma_start3A_24] : memref<328x128xbf16, #tpu.memory_space<vmem>> -> memref<320x128xbf16, #tpu.memory_space<vmem>>
      tpu.enqueue_dma source(%dma_start3A_25 : memref<320x128xbf16, #tpu.memory_space<vmem>>) target(%dma_start3A_22 : memref<320x128xbf16, #tpu.memory_space<hbm>>) target_semaphore(%run_scoped3A : memref<!tpu.dma_semaphore, #tpu.memory_space<semaphore_mem>>)
      %dma_wait3A = arith.constant 0 : i32
      %dma_wait3A_26 = arith.constant 0 : i32
      %dma_wait3A_27 = tpu.memref_slice %arg11[%dma_wait3A, %dma_wait3A_26] : memref<328x128xbf16, #tpu.memory_space<vmem>> -> memref<320x128xbf16, #tpu.memory_space<vmem>>
      %dma_wait3A_28 = arith.constant 0 : i32
      %dma_wait3A_29 = tpu.memref_slice %arg5[%mul3A_2, %dma_wait3A_28] : memref<10240x128xbf16, #tpu.memory_space<hbm>> -> memref<320x128xbf16, #tpu.memory_space<hbm>>
      %dma_wait3A_30 = arith.constant 0 : i32
      %dma_wait3A_31 = tpu.memref_slice %arg5[%mul3A_2, %dma_wait3A_30] : memref<10240x128xbf16, #tpu.memory_space<hbm>> -> memref<320x128xbf16, #tpu.memory_space<hbm>>
      %dma_wait3A_32 = arith.constant 0 : i32
      %dma_wait3A_33 = arith.constant 0 : i32
      %dma_wait3A_34 = tpu.memref_slice %arg11[%dma_wait3A_32, %dma_wait3A_33] : memref<328x128xbf16, #tpu.memory_space<vmem>> -> memref<320x128xbf16, #tpu.memory_space<vmem>>
      tpu.wait_dma2 semaphore(%run_scoped3A : memref<!tpu.dma_semaphore, #tpu.memory_space<semaphore_mem>>) src(%dma_wait3A_34 : memref<320x128xbf16, #tpu.memory_space<vmem>>) dst(%dma_wait3A_31 : memref<320x128xbf16, #tpu.memory_space<hbm>>)
      tpu.yield
    }) : () -> ()
    return
  }
}

module attributes {stable_mosaic.version = 14 : i64} {
  func.func @_matmul_body(%arg0: i32, %arg1: memref<512x128xf32, #tpu.memory_space<vmem>>, %arg2: memref<128x128xf32, #tpu.memory_space<vmem>>, %arg3: memref<1x128xf32, #tpu.memory_space<vmem>>, %arg4: memref<512x128xf32, #tpu.memory_space<vmem>>) attributes {dimension_semantics = [#tpu.dimension_semantics<arbitrary>], iteration_bounds = array<i64: 20>, scalar_prefetch = 0 : i64, scratch_operands = 0 : i64, tpu.core_type = #tpu.core_type<tc>, window_params = [{transform_indices = @transform_0, window_bounds = array<i64: 512, 128>}, {pipeline_mode = #tpu.pipeline_mode<synchronous>, transform_indices = @transform_1, window_bounds = array<i64: 128, 128>}, {pipeline_mode = #tpu.pipeline_mode<synchronous>, transform_indices = @transform_2, window_bounds = array<i64: 1, 128>}, {transform_indices = @transform_3, window_bounds = array<i64: 512, 128>}]} {
    %get3A = arith.constant 0 : index
    %get3A_0 = arith.constant 0 : index
    %get3A_1 = vector.load %arg1[%get3A, %get3A_0] : memref<512x128xf32, #tpu.memory_space<vmem>>, vector<512x128xf32>
    %get3A_2 = arith.constant 0 : index
    %get3A_3 = arith.constant 0 : index
    %get3A_4 = vector.load %arg2[%get3A_2, %get3A_3] : memref<128x128xf32, #tpu.memory_space<vmem>>, vector<128x128xf32>
    %dot_general3A = arith.constant dense<0.000000e+00> : vector<512x128xf32>
    %dot_general3A_5 = tpu.matmul %get3A_1, %get3A_4, %dot_general3A {dimension_numbers = #tpu.dot_dimension_numbers<[1], [1], [0], [0], [0, 0, 1, 0], [], []>, transpose_lhs_hint = false} : vector<512x128xf32>, vector<128x128xf32>, vector<512x128xf32> -> vector<512x128xf32>
    %get3A_6 = arith.constant 0 : index
    %get3A_7 = arith.constant 0 : index
    %get3A_8 = vector.load %arg3[%get3A_6, %get3A_7] : memref<1x128xf32, #tpu.memory_space<vmem>>, vector<1x128xf32>
    %add3A = vector.broadcast %get3A_8 : vector<1x128xf32> to vector<512x128xf32>
    %add3A_9 = arith.addf %dot_general3A_5, %add3A : vector<512x128xf32>
    %max3A = arith.constant 0.000000e+00 : f32
    %max3A_10 = vector.broadcast %max3A : f32 to vector<512x128xf32>
    %max3A_11 = arith.maximumf %add3A_9, %max3A_10 : vector<512x128xf32>
    %swap3A = arith.constant 0 : index
    %swap3A_12 = arith.constant 0 : index
    %swap3A_13 = vector.load %arg4[%swap3A, %swap3A_12] : memref<512x128xf32, #tpu.memory_space<vmem>>, vector<512x128xf32>
    tpu.vector_store %arg4[%swap3A, %swap3A_12], %max3A_11 {strides = array<i32>} : memref<512x128xf32, #tpu.memory_space<vmem>>, vector<512x128xf32>,
    return
  }
  func.func @transform_0(%arg0: i32) -> (i32, i32) {
    %c0_i32 = arith.constant 0 : i32
    %c0_i32_0 = arith.constant 0 : i32
    return %arg0, %c0_i32 : i32, i32
  }
  func.func @transform_1(%arg0: i32) -> (i32, i32) {
    %c0_i32 = arith.constant 0 : i32
    %c0_i32_0 = arith.constant 0 : i32
    %c0_i32_1 = arith.constant 0 : i32
    return %c0_i32, %c0_i32_0 : i32, i32
  }
  func.func @transform_2(%arg0: i32) -> (i32, i32) {
    %c0_i32 = arith.constant 0 : i32
    %c0_i32_0 = arith.constant 0 : i32
    %c0_i32_1 = arith.constant 0 : i32
    return %c0_i32, %c0_i32_0 : i32, i32
  }
  func.func @transform_3(%arg0: i32) -> (i32, i32) {
    %c0_i32 = arith.constant 0 : i32
    %c0_i32_0 = arith.constant 0 : i32
    return %arg0, %c0_i32 : i32, i32
  }
}

module attributes {stable_mosaic.version = 14 : i64} {
  func.func @_select_body(%arg0: i32, %arg1: memref<1024x128xbf16, #tpu.memory_space<vmem>>, %arg2: memref<1024x128xf32, #tpu.memory_space<vmem>>, %arg3: memref<1024x128xf32, #tpu.memory_space<vmem>>) attributes {dimension_semantics = [#tpu.dimension_semantics<arbitrary>], iteration_bounds = array<i64: 10>, scalar_prefetch = 0 : i64, scratch_operands = 0 : i64, tpu.core_type = #tpu.core_type<tc>, window_params = [{transform_indices = @transform_0, window_bounds = array<i64: 1024, 128>}, {transform_indices = @transform_1, window_bounds = array<i64: 1024, 128>}, {transform_indices = @transform_2, window_bounds = array<i64: 1024, 128>}]} {
    %get3A = arith.constant 0 : index
    %get3A_0 = arith.constant 0 : index
    %get3A_1 = vector.load %arg1[%get3A, %get3A_0] : memref<1024x128xbf16, #tpu.memory_space<vmem>>, vector<1024x128xbf16>
    %convert_element_type3A = arith.extf %get3A_1 : vector<1024x128xbf16> to vector<1024x128xf32>
    %lt3A = arith.constant 0.000000e+00 : f32
    %lt3A_2 = vector.broadcast %lt3A : f32 to vector<1024x128xf32>
    %lt3A_3 = arith.cmpf olt, %convert_element_type3A, %lt3A_2 : vector<1024x128xf32>
    %get3A_4 = arith.constant 0 : index
    %get3A_5 = arith.constant 0 : index
    %get3A_6 = vector.load %arg2[%get3A_4, %get3A_5] : memref<1024x128xf32, #tpu.memory_space<vmem>>, vector<1024x128xf32>
    %select_n3A = arith.select %lt3A_3, %get3A_6, %convert_element_type3A : vector<1024x128xi1>, vector<1024x128xf32>
    %swap3A = arith.constant 0 : index
    %swap3A_7 = arith.constant 0 : index
    %swap3A_8 = vector.load %arg3[%swap3A, %swap3A_7] : memref<1024x128xf32, #tpu.memory_space<vmem>>, vector<1024x128xf32>
    tpu.vector_store %arg3[%swap3A, %swap3A_7], %select_n3A {strides = array<i32>} : memref<1024x128xf32, #tpu.memory_space<vmem>>, vector<1024x128xf32>,
    return
  }
  func.func @transform_0(%arg0: i32) -> (i32, i32) {
    %c0_i32 = arith.constant 0 : i32
    %c0_i32_0 = arith.constant 0 : i32
    return %arg0, %c0_i32 : i32, i32
  }
  func.func @transform_1(%arg0: i32) -> (i32, i32) {
    %c0_i32 = arith.constant 0 : i32
    %c0_i32_0 = arith.constant 0 : i32
    return %arg0, %c0_i32 : i32, i32
  }
  func.func @transform_2(%arg0: i32) -> (i32, i32) {
    %c0_i32 = arith.constant 0 : i32
    %c0_i32_0 = arith.constant 0 : i32
    return %arg0, %c0_i32 : i32, i32
  }
}

</mosaic_0001>

<sc_bundles>
// kernel: kernel.5.cloned.1.call-start
scs
__scs_entry_jumppad:
0x0: {  	(pc) =	sbr.rel $0x88, $3  }
0x1: {  	(tag) =	ssettag $0x0;
	lr =	simm.s32 $0x1  }
0x2: {  	[smem:$0x3F9D] =	sst lr;
	_ =	strace $0xD0000000  }
0x3: {  	_ = 	snop  }
0x4: {  	_ = 	snop  }
0x5: {  	_ = 	snop  }
0x6: {  	_ = 	snop  }
0x7: {  	_ = 	snop  }
__scs_overlays_trampoline_lowered:
0x8: {  	[smem:$0x3FAC] =	sst s0  }
0x9: {  	[smem:$0x3FAD] =	sst s1  }
0xa: {  	[smem:$0x3FAE] =	sst s2  }
0xb: {  	[smem:$0x3FAF] =	sst s3  }
0xc: {  	[smem:$0x3FB0] =	sst s4  }
0xd: {  	[smem:$0x3FB1] =	sst s5  }
0xe: {  	[smem:$0x3FB2] =	sst s6  }
0xf: {  	[smem:$0x3FB3] =	sst s7  }
0x10: {  	[smem:$0x3FB4] =	sst s8  }
0x11: {  	[smem:$0x3FB5] =	sst s9;
	s0 =	simm.s32 @!p0 $0x0  }
0x12: {  	s1 =	sld [smem:$0x3F9B];
	s0 =	simm.s32 @p0 $0x1  }
0x13: {  	[smem:$0x3FB6] =	sst s0;
	s0 =	simm.s32 @!p1 $0x0  }
0x14: {  	s2 =	sld [smem:$0x3F9A];
	s0 =	simm.s32 @p1 $0x1  }
0x15: {  	[smem:$0x3FB7] =	sst s0;
	s0 =	simm.s32 @!p2 $0x0  }
0x16: {  	s3 =	sld [smem:$0x3FDB];
	s0 =	simm.s32 @p2 $0x1  }
0x17: {  	s4 =	simm.s32 $0x1BF5;
	[smem:$0x3FB9] =	sst s0  }
0x18: {  	s0 =	sld [smem:$0x3F9C];
	_ =	swait.ge [sflag:s4], $0x0  }
0x19: {  	s7 =	sld [smem:$0x3F9D]  }
0x1a: {  	s8 =	sadd.s32 $0xFFFFE003, lr  }
0x1b: {  	s9 =	sadd.s32 $0xFFFFFEF7, lr;
	s5 =	simm.s32 $0xFFFFFFFF;
	p2 =	slt.u32 s8, $0xFFFFF086  }
0x1c: {  	p1 =	slt.u32 s9, $0xF7A;
	s5 =	simm.s32 @!p2 $0x0  }
0x1d: {  	s5 =	simm.s32 @p1 $0x1;
	p0 =	seq.s32 s7, s2  }
0x1e: {  	s7 =	smul.u32 @!p0 $0xF7A, s2;
	p2 =	seq.s32 @!p0 s5, $0x0  }
0x1f: {  	s9 =	smul.u32 $0xF7A, s1;
	s8 =	simm.s32 @!p0 $0x1BF5;
	p2 =	por !p2, p0  }
0x20: {  	[sflag:s8] =	ssyncset.s32 @!p0 $0xFFFFF086;
	s6 =	sadd.s32 @!p0 s3, s7;
	s7 =	simm.s32 @!p0 $0x108  }
0x21: {  	s3 =	sadd.s32 s3, s9;
	s6 =	sadd.s32 @!p0 $0x88, s6;
	s7 =	simm.s32 @p2 $0x1082  }
0x22: {  	[simem:s7], [sflag:s8] =	dma.local @!p0 [hbm:s6], $0xF7A  }
0x23: {  	s9 =	sor.u32 $0xD0000000, s2;
	s6 =	simm.s32 $0x108;
	_ =	swait.ge @!p0 [sflag:s8], $0x0  }
0x24: {  	s3 =	sadd.s32 $0x88, s3;
	s6 =	simm.s32 @!p1 $0x1082;
	[sflag:s4] =	ssyncset.s32 $0xFFFFF086  }
0x25: {  	[simem:s6], [sflag:s4] =	dma.local [hbm:s3], $0xF7A  }
0x26: {  	[smem:$0x3F9D] =	sst s1;
	(tag) =	ssettag s2;
	_ =	strace s9  }
0x27: {  	s1 =	sld [smem:$0x3FAD]  }
0x28: {  	s2 =	sld [smem:$0x3FAE]  }
0x29: {  	s4 =	sld [smem:$0x3FB0]  }
0x2a: {  	p0 =	seq.s32 s5, $0x0;
	s5 =	sld [smem:$0x3FB1]  }
0x2b: {  	s6 =	sld [smem:$0x3FB2]  }
0x2c: {  	s7 =	sld [smem:$0x3FB3]  }
0x2d: {  	s3 =	simm.s32 $0x108;
	s8 =	sld [smem:$0x3FB4]  }
0x2e: {  	s3 =	simm.s32 @!p0 $0x1082;
	s9 =	sld [smem:$0x3FB5]  }
0x2f: {  	lr =	sadd.s32 s0, s3;
	s0 =	sld [smem:$0x3FAC]  }
0x30: {  	s3 =	sld [smem:$0x3FAF]  }
0x31: {  	[smem:$0x3FB8] =	sst s10  }
0x32: {  	s10 =	sld [smem:$0x3FB6];
	_ =	sdelay $0x3  }
0x33: {  	p0 =	seq.s32 s10, $0x1;
	s10 =	sld [smem:$0x3FB8];
	_ =	sdelay $0x3  }
0x34: {  	[smem:$0x3FB8] =	sst s10  }
0x35: {  	s10 =	sld [smem:$0x3FB7];
	_ =	sdelay $0x3  }
0x36: {  	p1 =	seq.s32 s10, $0x1;
	s10 =	sld [smem:$0x3FB8];
	_ =	sdelay $0x3  }
0x37: {  	[smem:$0x3FB8] =	sst s10  }
0x38: {  	s10 =	sld [smem:$0x3FB9]  }
0x39: {  	_ = 	snop;
	(pc) =	sbr.ind lr, $3  }
0x3a: {  	_ = 	snop  }
0x3b: {  	_ = 	snop  }
0x3c: {  	p2 =	seq.s32 s10, $0x1;
	s10 =	sld [smem:$0x3FB8]  }
0x3d: {  	_ =	shalt  }
0x3e: {  	_ =	shalt  }
0x3f: {  	_ =	shalt  }
0x40: {  	_ =	shalt  }
0x41: {  	_ =	shalt  }
0x42: {  	_ =	shalt  }
0x43: {  	_ =	shalt  }
0x44: {  	_ =	shalt  }
0x45: {  	_ =	shalt  }
0x46: {  	_ =	shalt  }
0x47: {  	_ =	shalt  }
0x48: {  	_ =	shalt  }
0x49: {  	_ =	shalt  }
0x4a: {  	_ =	shalt  }
0x4b: {  	_ =	shalt  }
0x4c: {  	_ =	shalt  }
0x4d: {  	_ =	shalt  }
0x4e: {  	_ =	shalt  }
0x4f: {  	_ =	shalt  }
0x50: {  	_ =	shalt  }
0x51: {  	_ =	shalt  }
0x52: {  	_ =	shalt  }
0x53: {  	_ =	shalt  }
0x54: {  	_ =	shalt  }
0x55: {  	_ =	shalt  }
0x56: {  	_ =	shalt  }
0x57: {  	_ =	shalt  }
0x58: {  	_ =	shalt  }
0x59: {  	_ =	shalt  }
0x5a: {  	_ =	shalt  }
0x5b: {  	_ =	shalt  }
0x5c: {  	_ =	shalt  }
0x5d: {  	_ =	shalt  }
0x5e: {  	_ =	shalt  }
0x5f: {  	_ =	shalt  }
0x60: {  	_ =	shalt  }
0x61: {  	_ =	shalt  }
0x62: {  	_ =	shalt  }
0x63: {  	_ =	shalt  }
0x64: {  	_ =	shalt  }
0x65: {  	_ =	shalt  }
0x66: {  	_ =	shalt  }
0x67: {  	_ =	shalt  }
0x68: {  	_ =	shalt  }
0x69: {  	_ =	shalt  }
0x6a: {  	_ =	shalt  }
0x6b: {  	_ =	shalt  }
0x6c: {  	_ =	shalt  }
0x6d: {  	_ =	shalt  }
0x6e: {  	_ =	shalt  }
0x6f: {  	_ =	shalt  }
0x70: {  	_ =	shalt  }
0x71: {  	_ =	shalt  }
0x72: {  	_ =	shalt  }
0x73: {  	_ =	shalt  }
0x74: {  	_ =	shalt  }
0x75: {  	_ =	shalt  }
0x76: {  	_ =	shalt  }
0x77: {  	_ =	shalt  }
0x78: {  	_ =	shalt  }
0x79: {  	_ =	shalt  }
0x7a: {  	_ =	shalt  }
0x7b: {  	_ =	shalt  }
0x7c: {  	_ =	shalt  }
0x7d: {  	_ =	shalt  }
0x7e: {  	_ =	shalt  }
0x7f: {  	_ =	shalt  }
0x80: {  	_ =	shalt  }
0x81: {  	_ =	shalt  }
0x82: {  	_ =	shalt  }
0x83: {  	_ =	shalt  }
0x84: {  	_ =	shalt  }
0x85: {  	_ =	shalt  }
0x86: {  	_ =	shalt  }
0x87: {  	_ =	shalt  }
.Lfunc_end0:
.L_simem_size_0:
called_computation_lowered:
.L_overlay_start_0:
0x88: {  	s2 =	sld [smem:$0x3FD9]  }
0x89: {  	s3 =	sld [smem:$0x3FFE];
	_ =	sdelay $0x1  }
0x8a: {  	s1 =	srdreg.scid  }
0x8b: {  	s0 =	sand.u32 $0x1, s1  }
0x8c: {  	s17 =	sshll.u32 s0, $0xA;
	s2 =	sadd.s32 s3, s2  }
0x8d: {  	s2 =	sadd.s32 s2, s17  }
0x8e: {  	[smem:$0x3FC4] =	sst s2  }
0x8f: {  	_ = 	snop  }
0x90: {  	s2 =	sld [smem:$0x3FD0];
	(tm) =	ssettm $0x1  }
0x91: {  	s18 =	sld [smem:$0x3FFB];
	_ =	sdelay $0x3  }
0x92: {  	_ =	strace s18  }
0x93: {  	s3 =	sld [smem:$0x3FFC];
	_ =	sdelay $0x3  }
0x94: {  	_ =	strace s3  }
0x95: {  	s3 =	sld [smem:$0x3FFD];
	_ =	sdelay $0x3  }
0x96: {  	_ =	strace s3  }
0x97: {  	_ =	strace $0x8FFFFFFF  }
0x98: {  	s19 =	sld [smem:$0x3FDB];
	_ =	sdelay $0x1  }
0x99: {  	s4 =	simm.s32 $_scs_section_size  }
0x9a: {  	s5 =	simm.s32 $_size__tile_overlayer_lowered;
	s6 =	simm.s32 $_tile_overlayer_lowered  }
0x9b: {  	s22 =	simm.s32 $0x1BFF;
	s21 =	sshll.u32 s6, $0x1;
	s3 =	sadd.s32 s4, s19  }
0x9c: {  	s7 =	simm.s32 $0x0;
	s20 =	sshll.u32 s5, $0x1;
	s5 =	sadd.s32 s21, s3  }
0x9d: {  	[timem:s7], [sflag:s22] =	dma.local [hbm:s5], s20  }
0x9e: {  	_ =	swait.ge [sflag:s22], s20  }
0x9f: {  	s4 =	ssub.s32 $0x0, s20;
	[sflag:s22] =	ssyncset.done $0x0  }
0xa0: {  	[sflag:s22] =	ssyncadd.s32 s4;
	_ =	sdelay $0x1  }
0xa1: {  	s23 =	simm.s32 $0x1B8B  }
0xa2: {  	_ =	swait.ge [sflag:s23], $0x1  }
0xa3: {  	[sflag:s23] =	ssyncset.done $0x0  }
0xa4: {  	s25 =	simm.s32 $0x1B8E;
	s24 =	sld [smem:$0x3FFE];
	[sflag:s23] =	ssyncadd.s32 $0xFFFFFFFF  }
0xa5: {  	s26 =	simm.s32 $execute0_lowered;
	[smem:$0x3FD2] =	sst s25  }
0xa6: {  	s5 =	sshll.u32 s26, $0x1;
	_ =	strace $0x80000046;
	[dreg:$0x1] =	wrdreg $0xFFFFFFFF  }
0xa7: {  	s28 =	simm.s32 $_size_execute0_lowered;
	s3 =	sadd.s32 s3, s5;
	[dreg:$0x0] =	wrdreg $0x0  }
0xa8: {  	s5 =	sshll.u32 s28, $0x1;
	[dreg:$0x2] =	wrdreg s3  }
0xa9: {  	[dreg:$0x3] =	wrdreg s5  }
0xaa: {  	[dreg:$0x4] =	wrdreg $0xC0  }
0xab: {  	_ =	task [dreg:s7], $0x5FFFF  }
0xac: {  	[dreg:$0x1] =	wrdreg $0xFFFFFFFF  }
0xad: {  	[dreg:$0x0] =	wrdreg $0x60  }
0xae: {  	[dreg:$0x2] =	wrdreg s2  }
0xaf: {  	[dreg:$0x3] =	wrdreg s24  }
0xb0: {  	[dreg:$0x4] =	wrdreg $0x9  }
0xb1: {  	_ =	task.clear_ibuf [dreg:s7], $0x5FFFF;
	_ =	strace $0x90000046  }
0xb2: {  	s29 =	simm.s32 $0x9;
	_ =	strace $0x80000048  }
0xb3: {  	_ =	swait.ge [sflag:s29], $0x1  }
0xb4: {  	[sflag:s29] =	ssyncadd.s32 $0xFFFFFFFF  }
0xb5: {  	_ =	strace $0x90000048  }
0xb6: {  	_ =	sfence  }
0xb7: {  	s30 =	sld [smem:$0x0];
	_ =	sdelay $0x2  }
0xb8: {  	s31 =	sshll.u32 s1, $0xD;
	s1 =	sshrl.u32 s1, $0x2  }
0xb9: {  	s3 =	sand.u32 $0x4000, s31;
	s1 =	sadd.s32 s1, s30  }
0xba: {  	s0 =	sor.u32 s3, s0;
	s1 =	sshll.u32 s1, $0x11  }
0xbb: {  	s0 =	sor.u32 s1, s0  }
0xbc: {  	s0 =	sadd.s32 $0x8F2B, s0  }
0xbd: {  	[sflag:s0] =	ssyncadd.remote.s32 $0x1  }
0xbe: {  	_ =	sfence.sel $0xFFFF  }
0xbf: {  	[dreg:$0x0] =	wrdreg $0xFFFFFFFF;
	(pc) =	sbr.abs _section_cstart, $3  }
0xc0: {  	[dreg:$0x1] =	wrdreg $0xFFFFFFFF  }
0xc1: {  	_ =	task.clear_ibuf [dreg:s7], $0x2FFFF;
	_ =	strace $0x9FFFFFFF  }
0xc2: {  	(tm) =	ssettm $0x7FFFFFFF  }
0xc3: {  	_ =	shalt  }
tec
execute0_lowered:
.L_overlay_start_1:
0x0: {  	(tag) =	ssettag $0x1  }
0x1: {  	s2 =	rddreg [dreg:$0x0];
	s1 =	srdreg.scid  }
0x2: {  	s0 =	stileid.u32;
	s3 =	rddreg [dreg:$0x1]  }
0x3: {  	s4 =	simm.s32 $0x0;
	s5 =	sand.u32 $0x1, s1;
	s6 =	sshll.u32 s0, $0x1  }
0x4: {  	s11 =	simm.s32 $0xFA20;
	s12 =	simm.s32 $0xFE20;
	s6 =	sor.u32 s5, s6  }
0x5: {  	s13 =	simm.s32 $0x0;
	s1 =	rddreg [dreg:$0x2];
	s7 =	smul.u32 $0xA00, s6  }
.Ltmp0:
0x6: {  	[smem:$0x7FF] =	sst s4;
	s8 =	ssub.s32 $0x2, s5;
	(pc) =	sbr.rel .LBB2_1-.Ltmp0, $4  }
0x7: {  	_ =	strace $0x80000047;
	s9 =	sshrl.u32 s8, $0x1;
	s10 =	smul.u32 $0x140, s6  }
0x8: {  	s5 =	sadd.s32 $0x9E00, s3;
	s30 =	ssub.s32 s8, s9;
	s8 =	simm.s32 $0x2  }
0x9: {  	v2 =	vimm.bf16 $-1.0000e+00;
	v3 =	vimm.s32 $0x0;
	v4 =	vimm.s32 $0x140;
	s9 =	simm.s32 $0x3E80;
	s29 =	sadd.s32 s7, s3;
	s31 =	sadd.s32 $0x140, s10  }
0xa: {  	vm0 =	vmmov $0xffff;
	s7 =	smax.u32 s30, $0x1;
	v0 =	vmov s10;
	s10 =	simm.s32 $0x1;
	s6 =	sadd.s32 $0x13C00, s29;
	v1 =	vmov s31  }
.LBB2_10:
0xb: {  	s13 =	sadd.s32 $0x1, s13  }
0xc: {  	p0 =	sne.s32 s13, s7  }
.Ltmp1:
0xd: {  	_ = 	snop;
	(pc) =	sbr.rel @!p0 .LBB2_11-.Ltmp1, $4  }
0xe: {  	[hbm4b:s6+s4] =	stream.linear.scatter [tilespmem:s12], [sflag:$0x2], $0x5000, $0x38;
	[tilespmem:$0x15020] =	vst v63  }
0xf: {  	_ =	swait.ge [sflag:s8], $0x5000  }
0x10: {  	[sflag:s8] =	ssyncset.done $0x0  }
0x11: {  	[sflag:s8] =	ssyncadd.s32 $0xFFFFB000  }
.LBB2_1:
0x12: {  	s14 =	simm.s32 $0x100;
	s15 =	simm.s32 $0x0  }
.LBB2_2:
0x13: {  	p0 =	sne.s32 s14, $0x14700;
	[tilespmem:s15+$0xFE50] =	vst v2;
	s16 =	smov.u32 s14;
	s14 =	sadd.s32 $0x100, s14  }
.Ltmp2:
0x14: {  	[tilespmem:s15+$0xFE40] =	vst v2;
	(pc) =	sbr.rel @p0 .LBB2_2-.Ltmp2, $3  }
0x15: {  	[tilespmem:s15+$0xFE20] =	vst v2  }
0x16: {  	[tilespmem:s15+$0xFE30] =	vst v2;
	_ =	sdelay $0x1  }
0x17: {  	s15 =	sshra.s32 s16, $0x2  }
.Ltmp3:
0x18: {  	(pc) =	sbr.rel .LBB2_4-.Ltmp3, $4  }
0x19: {  	[tilespmem:s15+$0xFE50] =	vst v2  }
0x1a: {  	[tilespmem:s15+$0xFE40] =	vst v2  }
0x1b: {  	[tilespmem:s15+$0xFE20] =	vst v2  }
0x1c: {  	s14 =	simm.s32 $0x0;
	[tilespmem:s15+$0xFE30] =	vst v2;
	s15 =	simm.s32 $0x0  }
.LBB2_9:
0x1d: {  	s15 =	sadd.s32 $0x1, s15  }
0x1e: {  	p0 =	sne.s32 s15, $0x14  }
.Ltmp4:
0x1f: {  	_ = 	snop;
	(pc) =	sbr.rel @!p0 .LBB2_10-.Ltmp4, $1  }
0x20: {  	_ =	sdelay $0x3  }
.LBB2_4:
0x21: {  	s16 =	smul.u32 $0x7D0, s15;
	_ =	sdelay $0x1  }
0x22: {  	s17 =	sadd.s32 s5, s16  }
0x23: {  	[tilespmem:s14], [sflag:$0x2] =	stream.linear.gather [hbm4b:s17+s14], $0x3E80, $0x38;
	[tilespmem:$0x15020] =	vst v63  }
0x24: {  	_ =	swait.ge [sflag:s8], $0x3E80  }
0x25: {  	[sflag:s8] =	ssyncset.done $0x0  }
0x26: {  	s16 =	sadd.s32 s3, s16;
	[sflag:s8] =	ssyncadd.s32 $0xFFFFC180  }
0x27: {  	[tilespmem:s9], [sflag:$0x2] =	stream.linear.gather [hbm4b:s16+s14], $0x3E80, $0x38;
	[tilespmem:$0x15020] =	vst v63  }
0x28: {  	_ =	swait.ge [sflag:s8], $0x3E80  }
0x29: {  	[sflag:s8] =	ssyncset.done $0x0  }
0x2a: {  	s31 =	simm.s32 $0x0;
	[sflag:s8] =	ssyncadd.s32 $0xFFFFC180  }
0x2b: {  	v5 =	vld [tilespmem:s31+$0x3E80];
	_ =	sdelay $0x4  }
0x2c: {  	vm1 =	vge.s32 v5, v0;
	vm2 =	vlt.s32 v5, v1  }
0x2d: {  	vm1 =	vmand vm1, vm2  }
0x2e: {  	v7 =	vmpcnt.ones.xlane vm1;
	_ =	sdelay $0x1  }
0x2f: {  	v6 =	vld [tilespmem:s31+$0x0];
	(v2sf) =	vpush v7, $0x0;
	_ =	sdelay $0x4  }
0x30: {  	v5 =	vsub.s32 v5, v0;
	[tilespmem:s14+$0x7D00] =	vst.msk vm1, v6  }
0x31: {  	s18 =	simm.s32 $0x10;
	s17 =	simm.s32 $0x80;
	s16 =	simm.s32 $0x0;
	[tilespmem:s14+$0xBB90] =	vst.msk vm1, v5  }
.LBB2_5:
0x32: {  	p0 =	sne.s32 s17, $0xF9C0;
	v5 =	vld [tilespmem:s18+$0x3E80];
	_ =	sdelay $0x4  }
0x33: {  	v6 =	vld [tilespmem:s18+$0x0];
	vm1 =	vge.s32 v5, v0;
	vm2 =	vlt.s32 v5, v1;
	v5 =	vsub.s32 v5, v0  }
0x34: {  	vm1 =	vmand vm1, vm2  }
0x35: {  	v7 =	vmpcnt.ones.xlane vm1  }
0x36: {  	s18 =	spop (v2sf)  }
0x37: {  	(v2sf) =	vpush v7, $0x0;
	s16 =	sadd.s32 s16, s18  }
0x38: {  	[tilespmem:s16+$0x7D00] =	vst.msk vm1, v6  }
.Ltmp5:
0x39: {  	[tilespmem:s16+$0xBB90] =	vst.msk vm1, v5;
	(pc) =	sbr.rel @p0 .LBB2_5-.Ltmp5, $2  }
0x3a: {  	_ =	sdelay $0x2  }
0x3b: {  	s18 =	sshra.s32 s17, $0x2;
	s17 =	sadd.s32 $0x40, s17  }
0x3c: {  	v5 =	vld [tilespmem:s18+$0x3E80];
	_ =	sdelay $0x4  }
0x3d: {  	vm1 =	vge.s32 v5, v0;
	vm2 =	vlt.s32 v5, v1  }
0x3e: {  	vm1 =	vmand vm1, vm2  }
0x3f: {  	v6 =	vmpcnt.ones.xlane vm1;
	_ =	sdelay $0x1  }
0x40: {  	(v2sf) =	vpush v6, $0x0;
	_ =	sdelay $0xd  }
0x41: {  	s17 =	spop (v2sf)  }
0x42: {  	s16 =	sadd.s32 s16, s17;
	s29 =	spop (v2sf)  }
0x43: {  	s17 =	sadd.s32 s16, s29  }
0x44: {  	v6 =	vld [tilespmem:s18+$0x0];
	s30 =	sadd.s32 $0xF, s17  }
0x45: {  	s19 =	sand.u32 $0xF, s30  }
0x46: {  	s31 =	sshra.s32 s30, $0x1F;
	p1 =	slt.s32 s30, $0x1;
	p0 =	sne.s32 s19, $0x0  }
0x47: {  	s19 =	sshrl.u32 s31, $0x1C;
	p0 =	por !p1, !p0  }
0x48: {  	s18 =	sadd.s32 s19, s30;
	s19 =	simm.s32 $0x1;
	p0 =	por !p0, !p0  }
0x49: {  	v5 =	vsub.s32 v5, v0;
	[tilespmem:s16+$0x7D00] =	vst.msk vm1, v6;
	s18 =	sshra.s32 s18, $0x4;
	s19 =	simm.s32 @!p0 $0x0  }
0x4a: {  	[tilespmem:s16+$0xBB90] =	vst.msk vm1, v5;
	s16 =	ssub.s32 s18, s19  }
0x4b: {  	p0 =	slt.s32 s16, $0x1  }
.Ltmp6:
0x4c: {  	_ = 	snop;
	(pc) =	sbr.rel @p0 .LBB2_9-.Ltmp6, $3  }
0x4d: {  	_ =	sdelay $0x1  }
0x4e: {  	[tilespmem:s17+$0x7D00] =	vst v3  }
0x4f: {  	[tilespmem:s17+$0xBB90] =	vst v4  }
0x50: {  	s17 =	simm.s32 $0x7D00;
	s18 =	simm.s32 $0xBB90  }
.LBB2_8:
0x51: {  	v5 =	vld [tilespmem:s17+$0x0];
	_ =	sdelay $0x7  }
0x52: {  	[tilespmem:s11], [sflag:$0x1] =	stream.indirect_vreg.gather [hbm4b:s2+s4], $0x40, v5, vm0, $0xb8;
	[tilespmem:$0x15020] =	vst v63  }
0x53: {  	v5 =	vld [tilespmem:s18+$0x0];
	_ =	sdelay $0x4  }
0x54: {  	v5 =	vshll.u32 v5, $0x8  }
0x55: {  	_ =	swait.ge [sflag:s10], $0x400;
	v5 =	vshra.s32 v5, $0x2  }
0x56: {  	(v2sf) =	vpush v5, $0x0;
	_ =	sdelay $0xc  }
0x57: {  	[sflag:s10] =	ssyncset.done $0x0  }
0x58: {  	[sflag:s10] =	ssyncadd.s32 $0xFFFFFC00  }
0x59: {  	v6 =	vld [tilespmem:$0xFA20];
	s19 =	spop (v2sf)  }
0x5a: {  	v7 =	vld [tilespmem:s19+$0xFE20];
	_ =	sdelay $0x4  }
0x5b: {  	v6 =	vmax.bf16 v7, v6  }
0x5c: {  	v7 =	vld [tilespmem:s19+$0xFE30];
	[tilespmem:s19+$0xFE20] =	vst v6  }
0x5d: {  	v6 =	vld [tilespmem:$0xFA30];
	_ =	sdelay $0x4  }
0x5e: {  	v6 =	vmax.bf16 v7, v6  }
0x5f: {  	(v2sf) =	vpush v5, $0x1;
	v7 =	vld [tilespmem:s19+$0xFE40];
	[tilespmem:s19+$0xFE30] =	vst v6  }
0x60: {  	v6 =	vld [tilespmem:$0xFA40];
	_ =	sdelay $0x4  }
0x61: {  	v6 =	vmax.bf16 v7, v6  }
0x62: {  	v7 =	vld [tilespmem:s19+$0xFE50];
	[tilespmem:s19+$0xFE40] =	vst v6  }
0x63: {  	v6 =	vld [tilespmem:$0xFA50];
	_ =	sdelay $0x4  }
0x64: {  	v6 =	vmax.bf16 v7, v6  }
0x65: {  	[tilespmem:s19+$0xFE50] =	vst v6  }
0x66: {  	s28 =	spop (v2sf);
	v6 =	vld [tilespmem:$0xFA60]  }
0x67: {  	v7 =	vld [tilespmem:s28+$0xFE20];
	_ =	sdelay $0x4  }
0x68: {  	v6 =	vmax.bf16 v7, v6  }
0x69: {  	v7 =	vld [tilespmem:s28+$0xFE30];
	[tilespmem:s28+$0xFE20] =	vst v6  }
0x6a: {  	v6 =	vld [tilespmem:$0xFA70];
	_ =	sdelay $0x4  }
0x6b: {  	v6 =	vmax.bf16 v7, v6  }
0x6c: {  	(v2sf) =	vpush v5, $0x2;
	v7 =	vld [tilespmem:s28+$0xFE40];
	[tilespmem:s28+$0xFE30] =	vst v6  }
0x6d: {  	v6 =	vld [tilespmem:$0xFA80];
	_ =	sdelay $0x4  }
0x6e: {  	v6 =	vmax.bf16 v7, v6  }
0x6f: {  	v7 =	vld [tilespmem:s28+$0xFE50];
	[tilespmem:s28+$0xFE40] =	vst v6  }
0x70: {  	v6 =	vld [tilespmem:$0xFA90];
	_ =	sdelay $0x4  }
0x71: {  	v6 =	vmax.bf16 v7, v6  }
0x72: {  	[tilespmem:s28+$0xFE50] =	vst v6  }
0x73: {  	s29 =	spop (v2sf);
	v6 =	vld [tilespmem:$0xFAA0]  }
0x74: {  	v7 =	vld [tilespmem:s29+$0xFE20];
	_ =	sdelay $0x4  }
0x75: {  	v6 =	vmax.bf16 v7, v6  }
0x76: {  	v7 =	vld [tilespmem:s29+$0xFE30];
	[tilespmem:s29+$0xFE20] =	vst v6  }
0x77: {  	v6 =	vld [tilespmem:$0xFAB0];
	_ =	sdelay $0x4  }
0x78: {  	v6 =	vmax.bf16 v7, v6  }
0x79: {  	(v2sf) =	vpush v5, $0x3;
	v7 =	vld [tilespmem:s29+$0xFE40];
	[tilespmem:s29+$0xFE30] =	vst v6  }
0x7a: {  	v6 =	vld [tilespmem:$0xFAC0];
	_ =	sdelay $0x4  }
0x7b: {  	v6 =	vmax.bf16 v7, v6  }
0x7c: {  	v7 =	vld [tilespmem:s29+$0xFE50];
	[tilespmem:s29+$0xFE40] =	vst v6  }
0x7d: {  	v6 =	vld [tilespmem:$0xFAD0];
	_ =	sdelay $0x4  }
0x7e: {  	v6 =	vmax.bf16 v7, v6  }
0x7f: {  	[tilespmem:s29+$0xFE50] =	vst v6  }
0x80: {  	s30 =	spop (v2sf);
	v6 =	vld [tilespmem:$0xFAE0]  }
0x81: {  	v7 =	vld [tilespmem:s30+$0xFE20];
	_ =	sdelay $0x4  }
0x82: {  	v6 =	vmax.bf16 v7, v6  }
0x83: {  	v7 =	vld [tilespmem:s30+$0xFE30];
	[tilespmem:s30+$0xFE20] =	vst v6  }
0x84: {  	v6 =	vld [tilespmem:$0xFAF0];
	_ =	sdelay $0x4  }
0x85: {  	v6 =	vmax.bf16 v7, v6  }
0x86: {  	(v2sf) =	vpush v5, $0x4;
	v7 =	vld [tilespmem:s30+$0xFE40];
	[tilespmem:s30+$0xFE30] =	vst v6  }
0x87: {  	v6 =	vld [tilespmem:$0xFB00];
	_ =	sdelay $0x4  }
0x88: {  	v6 =	vmax.bf16 v7, v6  }
0x89: {  	v7 =	vld [tilespmem:s30+$0xFE50];
	[tilespmem:s30+$0xFE40] =	vst v6  }
0x8a: {  	v6 =	vld [tilespmem:$0xFB10];
	_ =	sdelay $0x4  }
0x8b: {  	v6 =	vmax.bf16 v7, v6  }
0x8c: {  	[tilespmem:s30+$0xFE50] =	vst v6  }
0x8d: {  	s31 =	spop (v2sf);
	v6 =	vld [tilespmem:$0xFB20]  }
0x8e: {  	v7 =	vld [tilespmem:s31+$0xFE20];
	_ =	sdelay $0x4  }
0x8f: {  	v6 =	vmax.bf16 v7, v6  }
0x90: {  	v7 =	vld [tilespmem:s31+$0xFE30];
	[tilespmem:s31+$0xFE20] =	vst v6  }
0x91: {  	v6 =	vld [tilespmem:$0xFB30];
	_ =	sdelay $0x4  }
0x92: {  	v6 =	vmax.bf16 v7, v6  }
0x93: {  	(v2sf) =	vpush v5, $0x5;
	v7 =	vld [tilespmem:s31+$0xFE40];
	[tilespmem:s31+$0xFE30] =	vst v6  }
0x94: {  	v6 =	vld [tilespmem:$0xFB40];
	_ =	sdelay $0x4  }
0x95: {  	v6 =	vmax.bf16 v7, v6  }
0x96: {  	v7 =	vld [tilespmem:s31+$0xFE50];
	[tilespmem:s31+$0xFE40] =	vst v6  }
0x97: {  	v6 =	vld [tilespmem:$0xFB50];
	_ =	sdelay $0x4  }
0x98: {  	v6 =	vmax.bf16 v7, v6  }
0x99: {  	[tilespmem:s31+$0xFE50] =	vst v6  }
0x9a: {  	s20 =	spop (v2sf);
	v6 =	vld [tilespmem:$0xFB60]  }
0x9b: {  	v7 =	vld [tilespmem:s20+$0xFE20];
	_ =	sdelay $0x4  }
0x9c: {  	v6 =	vmax.bf16 v7, v6  }
0x9d: {  	v7 =	vld [tilespmem:s20+$0xFE30];
	[tilespmem:s20+$0xFE20] =	vst v6  }
0x9e: {  	v6 =	vld [tilespmem:$0xFB70];
	_ =	sdelay $0x4  }
0x9f: {  	v6 =	vmax.bf16 v7, v6  }
0xa0: {  	(v2sf) =	vpush v5, $0x6;
	v7 =	vld [tilespmem:s20+$0xFE40];
	[tilespmem:s20+$0xFE30] =	vst v6  }
0xa1: {  	v6 =	vld [tilespmem:$0xFB80];
	_ =	sdelay $0x4  }
0xa2: {  	v6 =	vmax.bf16 v7, v6  }
0xa3: {  	v7 =	vld [tilespmem:s20+$0xFE50];
	[tilespmem:s20+$0xFE40] =	vst v6  }
0xa4: {  	v6 =	vld [tilespmem:$0xFB90];
	_ =	sdelay $0x4  }
0xa5: {  	v6 =	vmax.bf16 v7, v6  }
0xa6: {  	[tilespmem:s20+$0xFE50] =	vst v6  }
0xa7: {  	s21 =	spop (v2sf);
	v6 =	vld [tilespmem:$0xFBA0]  }
0xa8: {  	v7 =	vld [tilespmem:s21+$0xFE20];
	_ =	sdelay $0x4  }
0xa9: {  	v6 =	vmax.bf16 v7, v6  }
0xaa: {  	v7 =	vld [tilespmem:s21+$0xFE30];
	[tilespmem:s21+$0xFE20] =	vst v6  }
0xab: {  	v6 =	vld [tilespmem:$0xFBB0];
	_ =	sdelay $0x4  }
0xac: {  	v6 =	vmax.bf16 v7, v6  }
0xad: {  	(v2sf) =	vpush v5, $0x7;
	v7 =	vld [tilespmem:s21+$0xFE40];
	[tilespmem:s21+$0xFE30] =	vst v6  }
0xae: {  	v6 =	vld [tilespmem:$0xFBC0];
	_ =	sdelay $0x4  }
0xaf: {  	v6 =	vmax.bf16 v7, v6  }
0xb0: {  	v7 =	vld [tilespmem:s21+$0xFE50];
	[tilespmem:s21+$0xFE40] =	vst v6  }
0xb1: {  	v6 =	vld [tilespmem:$0xFBD0];
	_ =	sdelay $0x4  }
0xb2: {  	v6 =	vmax.bf16 v7, v6  }
0xb3: {  	[tilespmem:s21+$0xFE50] =	vst v6  }
0xb4: {  	s22 =	spop (v2sf);
	v6 =	vld [tilespmem:$0xFBE0]  }
0xb5: {  	v7 =	vld [tilespmem:s22+$0xFE20];
	_ =	sdelay $0x4  }
0xb6: {  	v6 =	vmax.bf16 v7, v6  }
0xb7: {  	v7 =	vld [tilespmem:s22+$0xFE30];
	[tilespmem:s22+$0xFE20] =	vst v6  }
0xb8: {  	v6 =	vld [tilespmem:$0xFBF0];
	_ =	sdelay $0x4  }
0xb9: {  	v6 =	vmax.bf16 v7, v6  }
0xba: {  	(v2sf) =	vpush v5, $0x8;
	v7 =	vld [tilespmem:s22+$0xFE40];
	[tilespmem:s22+$0xFE30] =	vst v6  }
0xbb: {  	v6 =	vld [tilespmem:$0xFC00];
	_ =	sdelay $0x4  }
0xbc: {  	v6 =	vmax.bf16 v7, v6  }
0xbd: {  	v7 =	vld [tilespmem:s22+$0xFE50];
	[tilespmem:s22+$0xFE40] =	vst v6  }
0xbe: {  	v6 =	vld [tilespmem:$0xFC10];
	_ =	sdelay $0x4  }
0xbf: {  	v6 =	vmax.bf16 v7, v6  }
0xc0: {  	[tilespmem:s22+$0xFE50] =	vst v6  }
0xc1: {  	s23 =	spop (v2sf);
	v6 =	vld [tilespmem:$0xFC20]  }
0xc2: {  	v7 =	vld [tilespmem:s23+$0xFE20];
	_ =	sdelay $0x4  }
0xc3: {  	v6 =	vmax.bf16 v7, v6  }
0xc4: {  	v7 =	vld [tilespmem:s23+$0xFE30];
	[tilespmem:s23+$0xFE20] =	vst v6  }
0xc5: {  	v6 =	vld [tilespmem:$0xFC30];
	_ =	sdelay $0x4  }
0xc6: {  	v6 =	vmax.bf16 v7, v6  }
0xc7: {  	(v2sf) =	vpush v5, $0x9;
	v7 =	vld [tilespmem:s23+$0xFE40];
	[tilespmem:s23+$0xFE30] =	vst v6  }
0xc8: {  	v6 =	vld [tilespmem:$0xFC40];
	_ =	sdelay $0x4  }
0xc9: {  	v6 =	vmax.bf16 v7, v6  }
0xca: {  	v7 =	vld [tilespmem:s23+$0xFE50];
	[tilespmem:s23+$0xFE40] =	vst v6  }
0xcb: {  	v6 =	vld [tilespmem:$0xFC50];
	_ =	sdelay $0x4  }
0xcc: {  	v6 =	vmax.bf16 v7, v6  }
0xcd: {  	[tilespmem:s23+$0xFE50] =	vst v6  }
0xce: {  	s24 =	spop (v2sf);
	v6 =	vld [tilespmem:$0xFC60]  }
0xcf: {  	v7 =	vld [tilespmem:s24+$0xFE20];
	_ =	sdelay $0x4  }
0xd0: {  	v6 =	vmax.bf16 v7, v6  }
0xd1: {  	v7 =	vld [tilespmem:s24+$0xFE30];
	[tilespmem:s24+$0xFE20] =	vst v6  }
0xd2: {  	v6 =	vld [tilespmem:$0xFC70];
	_ =	sdelay $0x4  }
0xd3: {  	v6 =	vmax.bf16 v7, v6  }
0xd4: {  	(v2sf) =	vpush v5, $0xA;
	v7 =	vld [tilespmem:s24+$0xFE40];
	[tilespmem:s24+$0xFE30] =	vst v6  }
0xd5: {  	v6 =	vld [tilespmem:$0xFC80];
	_ =	sdelay $0x4  }
0xd6: {  	v6 =	vmax.bf16 v7, v6  }
0xd7: {  	v7 =	vld [tilespmem:s24+$0xFE50];
	[tilespmem:s24+$0xFE40] =	vst v6  }
0xd8: {  	v6 =	vld [tilespmem:$0xFC90];
	_ =	sdelay $0x4  }
0xd9: {  	v6 =	vmax.bf16 v7, v6  }
0xda: {  	[tilespmem:s24+$0xFE50] =	vst v6  }
0xdb: {  	s25 =	spop (v2sf);
	v6 =	vld [tilespmem:$0xFCA0]  }
0xdc: {  	v7 =	vld [tilespmem:s25+$0xFE20];
	_ =	sdelay $0x4  }
0xdd: {  	v6 =	vmax.bf16 v7, v6  }
0xde: {  	v7 =	vld [tilespmem:s25+$0xFE30];
	[tilespmem:s25+$0xFE20] =	vst v6  }
0xdf: {  	v6 =	vld [tilespmem:$0xFCB0];
	_ =	sdelay $0x4  }
0xe0: {  	v6 =	vmax.bf16 v7, v6  }
0xe1: {  	(v2sf) =	vpush v5, $0xB;
	v7 =	vld [tilespmem:s25+$0xFE40];
	[tilespmem:s25+$0xFE30] =	vst v6  }
0xe2: {  	v6 =	vld [tilespmem:$0xFCC0];
	_ =	sdelay $0x4  }
0xe3: {  	v6 =	vmax.bf16 v7, v6  }
0xe4: {  	v7 =	vld [tilespmem:s25+$0xFE50];
	[tilespmem:s25+$0xFE40] =	vst v6  }
0xe5: {  	v6 =	vld [tilespmem:$0xFCD0];
	_ =	sdelay $0x4  }
0xe6: {  	v6 =	vmax.bf16 v7, v6  }
0xe7: {  	[tilespmem:s25+$0xFE50] =	vst v6  }
0xe8: {  	s26 =	spop (v2sf);
	v6 =	vld [tilespmem:$0xFCE0]  }
0xe9: {  	v7 =	vld [tilespmem:s26+$0xFE20];
	_ =	sdelay $0x4  }
0xea: {  	v6 =	vmax.bf16 v7, v6  }
0xeb: {  	v7 =	vld [tilespmem:s26+$0xFE30];
	[tilespmem:s26+$0xFE20] =	vst v6  }
0xec: {  	v6 =	vld [tilespmem:$0xFCF0];
	_ =	sdelay $0x4  }
0xed: {  	v6 =	vmax.bf16 v7, v6  }
0xee: {  	(v2sf) =	vpush v5, $0xC;
	v7 =	vld [tilespmem:s26+$0xFE40];
	[tilespmem:s26+$0xFE30] =	vst v6  }
0xef: {  	v6 =	vld [tilespmem:$0xFD00];
	_ =	sdelay $0x4  }
0xf0: {  	v6 =	vmax.bf16 v7, v6  }
0xf1: {  	v7 =	vld [tilespmem:s26+$0xFE50];
	[tilespmem:s26+$0xFE40] =	vst v6  }
0xf2: {  	v6 =	vld [tilespmem:$0xFD10];
	_ =	sdelay $0x4  }
0xf3: {  	v6 =	vmax.bf16 v7, v6  }
0xf4: {  	[tilespmem:s26+$0xFE50] =	vst v6  }
0xf5: {  	s28 =	spop (v2sf);
	v6 =	vld [tilespmem:$0xFD20]  }
0xf6: {  	v7 =	vld [tilespmem:s28+$0xFE20];
	_ =	sdelay $0x4  }
0xf7: {  	v6 =	vmax.bf16 v7, v6  }
0xf8: {  	v7 =	vld [tilespmem:s28+$0xFE30];
	[tilespmem:s28+$0xFE20] =	vst v6  }
0xf9: {  	v6 =	vld [tilespmem:$0xFD30];
	_ =	sdelay $0x4  }
0xfa: {  	v6 =	vmax.bf16 v7, v6  }
0xfb: {  	(v2sf) =	vpush v5, $0xD;
	v7 =	vld [tilespmem:s28+$0xFE40];
	[tilespmem:s28+$0xFE30] =	vst v6  }
0xfc: {  	v6 =	vld [tilespmem:$0xFD40];
	_ =	sdelay $0x4  }
0xfd: {  	v6 =	vmax.bf16 v7, v6  }
0xfe: {  	v7 =	vld [tilespmem:s28+$0xFE50];
	[tilespmem:s28+$0xFE40] =	vst v6  }
0xff: {  	v6 =	vld [tilespmem:$0xFD50];
	_ =	sdelay $0x4  }
0x100: {  	v6 =	vmax.bf16 v7, v6  }
0x101: {  	[tilespmem:s28+$0xFE50] =	vst v6  }
0x102: {  	s29 =	spop (v2sf);
	v6 =	vld [tilespmem:$0xFD60]  }
0x103: {  	v7 =	vld [tilespmem:s29+$0xFE20];
	_ =	sdelay $0x4  }
0x104: {  	v6 =	vmax.bf16 v7, v6  }
0x105: {  	v7 =	vld [tilespmem:s29+$0xFE30];
	[tilespmem:s29+$0xFE20] =	vst v6  }
0x106: {  	v6 =	vld [tilespmem:$0xFD70];
	_ =	sdelay $0x4  }
0x107: {  	v6 =	vmax.bf16 v7, v6  }
0x108: {  	(v2sf) =	vpush v5, $0xE;
	v7 =	vld [tilespmem:s29+$0xFE40];
	[tilespmem:s29+$0xFE30] =	vst v6  }
0x109: {  	v6 =	vld [tilespmem:$0xFD80];
	_ =	sdelay $0x4  }
0x10a: {  	v6 =	vmax.bf16 v7, v6  }
0x10b: {  	v7 =	vld [tilespmem:s29+$0xFE50];
	[tilespmem:s29+$0xFE40] =	vst v6  }
0x10c: {  	v6 =	vld [tilespmem:$0xFD90];
	_ =	sdelay $0x4  }
0x10d: {  	v6 =	vmax.bf16 v7, v6  }
0x10e: {  	[tilespmem:s29+$0xFE50] =	vst v6  }
0x10f: {  	s30 =	spop (v2sf);
	v6 =	vld [tilespmem:$0xFDA0]  }
0x110: {  	v7 =	vld [tilespmem:s30+$0xFE20];
	_ =	sdelay $0x4  }
0x111: {  	v6 =	vmax.bf16 v7, v6  }
0x112: {  	v7 =	vld [tilespmem:s30+$0xFE30];
	[tilespmem:s30+$0xFE20] =	vst v6  }
0x113: {  	v6 =	vld [tilespmem:$0xFDB0];
	_ =	sdelay $0x4  }
0x114: {  	v6 =	vmax.bf16 v7, v6  }
0x115: {  	(v2sf) =	vpush v5, $0xF;
	v7 =	vld [tilespmem:s30+$0xFE40];
	[tilespmem:s30+$0xFE30] =	vst v6  }
0x116: {  	v6 =	vld [tilespmem:$0xFDC0];
	_ =	sdelay $0x4  }
0x117: {  	v5 =	vmax.bf16 v7, v6  }
0x118: {  	v6 =	vld [tilespmem:s30+$0xFE50];
	[tilespmem:s30+$0xFE40] =	vst v5  }
0x119: {  	v5 =	vld [tilespmem:$0xFDD0];
	_ =	sdelay $0x4  }
0x11a: {  	v5 =	vmax.bf16 v6, v5  }
0x11b: {  	[tilespmem:s30+$0xFE50] =	vst v5  }
0x11c: {  	s31 =	spop (v2sf);
	v5 =	vld [tilespmem:$0xFDE0]  }
0x11d: {  	v6 =	vld [tilespmem:s31+$0xFE20];
	_ =	sdelay $0x4  }
0x11e: {  	v5 =	vmax.bf16 v6, v5  }
0x11f: {  	v6 =	vld [tilespmem:s31+$0xFE30];
	[tilespmem:s31+$0xFE20] =	vst v5  }
0x120: {  	v5 =	vld [tilespmem:$0xFDF0];
	_ =	sdelay $0x4  }
0x121: {  	v5 =	vmax.bf16 v6, v5  }
0x122: {  	v6 =	vld [tilespmem:s31+$0xFE40];
	[tilespmem:s31+$0xFE30] =	vst v5  }
0x123: {  	v5 =	vld [tilespmem:$0xFE00];
	_ =	sdelay $0x4  }
0x124: {  	v5 =	vmax.bf16 v6, v5  }
0x125: {  	v6 =	vld [tilespmem:s31+$0xFE50];
	[tilespmem:s31+$0xFE40] =	vst v5  }
0x126: {  	v5 =	vld [tilespmem:$0xFE10]  }
0x127: {  	p0 =	sne.s32 s16, $0x1  }
.Ltmp7:
0x128: {  	_ = 	snop;
	(pc) =	sbr.rel @p0 .LBB2_8-.Ltmp7, $3  }
0x129: {  	_ =	sdelay $0x1  }
0x12a: {  	v5 =	vmax.bf16 v6, v5  }
0x12b: {  	s17 =	sadd.s32 $0x10, s17;
	s16 =	sadd.s32 $0xFFFFFFFF, s16;
	s18 =	sadd.s32 $0x10, s18;
	[tilespmem:s31+$0xFE50] =	vst v5  }
.Ltmp8:
0x12c: {  	_ = 	snop;
	(pc) =	sbr.rel .LBB2_9-.Ltmp8, $1  }
0x12d: {  	_ =	sdelay $0x3  }
.LBB2_11:
0x12e: {  	_ =	sfence.sel $0x180000  }
0x12f: {  	[bflag:$0x0] =	sbarrier.arrive $0xFFFF  }
0x130: {  	p0 =	sne.s32 s0, $0x0;
	_ =	strace $0x90000047  }
0x131: {  	s0 =	sadd.s32 @!p0 $0x100000, s1;
	[bflag:$0x2] =	sbarrier.arrive $0xFFFF  }
0x132: {  	[sflag:s0] =	ssyncadd.tile.s32 @!p0 $0x1;
	_ =	shalt  }
.Lfunc_end2:
_tile_overlayer_lowered:
.L_overlay_start_2:
0x133: {  	(tag) =	ssettag $0x2  }
0x134: {  	s0 =	rddreg [dreg:$0x0];
	s2 =	stileid.u32  }
0x135: {  	s1 =	rddreg [dreg:$0x1];
	p0 =	sne.s32 s2, $0x0  }
0x136: {  	s3 =	rddreg [dreg:$0x2];
	[bflag:$0x3] =	sbarrier.arrive $0xFFFF;
	s2 =	simm.s32 @!p0 $0x1C02  }
0x137: {  	[timem:s3], [sflag:s2] =	dma.local @!p0 [hbm:s0], s1  }
0x138: {  	s0 =	simm.s32 @!p0 $0x2  }
0x139: {  	_ =	swait.ge @!p0 [sflag:s0], s1  }
0x13a: {  	s1 =	ssub.s32 @!p0 $0x0, s1;
	[sflag:s0] =	ssyncset.done @!p0 $0x0  }
0x13b: {  	[sflag:s0] =	ssyncadd.s32 @!p0 s1  }
0x13c: {  	[bflag:$0x3] =	sbarrier.arrive $0xFFFF  }
0x13d: {  	_ =	shalt  }

</sc_bundles>
